<compile_context>
chip_gen: v7x
topology: tpu7x:2x2x1
jax: 0.10.2.dev20260603
libtpu: 0.0.44.dev20260713+nightly
codegen_flags: <defaults>
</compile_context>

<pallas_src>
import functools

import jax
import jax.numpy as jnp
from jax import lax
from jax.experimental import pallas as pl
from jax.experimental.pallas import tpu as pltpu
from jax.experimental.pallas import tpu_sc as plsc

_NC = 2
_NS = 16
_NW = _NC * _NS
_C = 128


def _transform_table(table, W, b):
    n, d = table.shape
    blk = 1024

    def body(x_ref, w_ref, b_ref, o_ref):
        acc = jnp.dot(x_ref[...], w_ref[...], preferred_element_type=jnp.float32)
        o_ref[...] = jnp.maximum(acc + b_ref[...], 0.0)

    return pl.pallas_call(
        body,
        grid=(pl.cdiv(n, blk),),
        in_specs=[
            pl.BlockSpec((blk, d), lambda i: (i, 0)),
            pl.BlockSpec((d, d), lambda i: (0, 0)),
            pl.BlockSpec((1, d), lambda i: (0, 0)),
        ],
        out_specs=pl.BlockSpec((blk, d), lambda i: (i, 0)),
        out_shape=jax.ShapeDtypeStruct((n, d), jnp.float32),
    )(table, W, b.reshape(1, d))


_K = 4


def _gather_rows(table2, idx3d, total, d):
    chunks = idx3d.shape[1]
    groups = chunks // _K
    assert groups % 2 == 0 and groups * _K == chunks
    rows_g = _K * _C
    mesh = plsc.VectorSubcoreMesh(core_axis_name="c", subcore_axis_name="s")

    @functools.partial(
        pl.kernel,
        out_type=jax.ShapeDtypeStruct((total, d), jnp.float32),
        mesh=mesh,
        scratch_types=[
            pltpu.VMEM((chunks, _C), jnp.int32),
            pltpu.VMEM((rows_g, d), jnp.float32),
            pltpu.VMEM((rows_g, d), jnp.float32),
            pltpu.SemaphoreType.DMA,
            pltpu.SemaphoreType.DMA,
            pltpu.SemaphoreType.DMA,
            pltpu.SemaphoreType.DMA,
        ],
        compiler_params=pltpu.CompilerParams(use_tc_tiling_on_sc=False),
    )
    def k(table_hbm, idx_hbm, out_hbm, idx_v, buf0, buf1, sg0, sg1, sw0, sw1):
        wid = lax.axis_index("s") * _NC + lax.axis_index("c")
        w_base = wid * chunks * _C
        pltpu.sync_copy(idx_hbm.at[wid], idx_v)

        def fire_gathers(g, buf, sem):
            for i in range(_K):
                pltpu.async_copy(
                    table_hbm.at[idx_v.at[g * _K + i]],
                    buf.at[pl.ds(i * _C, _C)],
                    sem,
                )

        def drain_gathers(buf, sem):
            pltpu.make_async_copy(table_hbm.at[pl.ds(0, rows_g)], buf, sem).wait()

        def fire_writeback(g, buf, sem):
            pltpu.async_copy(
                buf, out_hbm.at[pl.ds(w_base + g * rows_g, rows_g)], sem
            )

        def drain_writeback(buf, sem):
            pltpu.make_async_copy(buf, out_hbm.at[pl.ds(0, rows_g)], sem).wait()

        fire_gathers(0, buf0, sg0)

        def body(t, carry):
            g0 = 2 * t
            g1 = 2 * t + 1
            drain_gathers(buf0, sg0)

            @pl.when(t > 0)
            def _():
                drain_writeback(buf1, sw1)

            fire_gathers(g1, buf1, sg1)
            fire_writeback(g0, buf0, sw0)

            drain_gathers(buf1, sg1)

            @pl.when(g1 + 1 < groups)
            def _():
                drain_writeback(buf0, sw0)
                fire_gathers(g1 + 1, buf0, sg0)

            fire_writeback(g1, buf1, sw1)
            return carry

        lax.fori_loop(0, groups // 2, body, 0)
        drain_writeback(buf0, sw0)
        drain_writeback(buf1, sw1)

    return k(table2, idx3d)


def kernel(raw_seqs, embed_table, W, b):
    bsz, seq = raw_seqs.shape
    n, d = embed_table.shape
    total = bsz * seq
    table2 = _transform_table(embed_table, W, b)
    chunks = total // (_NW * _C)
    idx3d = raw_seqs.reshape(_NW, chunks, _C).astype(jnp.int32)
    out = _gather_rows(table2, idx3d, total, d)
    return out.reshape(bsz, seq, d)

# --- scband reference (transcript-rebuilt; emitter-appended) ---
"""Pipeline reference for scband-word-embedder-27728308863682 (READ-ONLY COPY).

The authoritative reference and input builder live on the scoring server;
editing this copy changes nothing except your own understanding.
"""

import jax, jax.numpy as jnp
import numpy as np

VOCAB_SIZE = 1000000
TOKEN_DIM = 64
EMBED_DIM = 64
BATCH = 4096
SEQ_LEN = 200
NUM_ROWS = VOCAB_SIZE + 3  # vocab_size + 3 rows as in nn.Embedding(vocab_size + 3, token_dim)


def setup_inputs(seed: int = 0) -> dict:
    key = jax.random.key(seed)
    k_idx, k_tab, k_w, k_b = jax.random.split(key, 4)
    # raw_seqs are assumed to already be mapped through _tokid_to_embedded_idx,
    # i.e. integer indices in [0, vocab_size + 3).
    raw_seqs = jax.random.randint(k_idx, (BATCH, SEQ_LEN), 0, NUM_ROWS, dtype=jnp.int64 if jax.config.jax_enable_x64 else jnp.int32)
    embed_table = jax.random.normal(k_tab, (NUM_ROWS, TOKEN_DIM), dtype=jnp.float32) * 0.02
    W = jax.random.normal(k_w, (TOKEN_DIM, EMBED_DIM), dtype=jnp.float32) * 0.02
    b = jnp.zeros((EMBED_DIM,), dtype=jnp.float32)
    return {"raw_seqs": raw_seqs, "embed_table": embed_table, "W": W, "b": b}


def reference(raw_seqs, embed_table, W, b):
    # embedded = self.embedder(raw_seqs)  -> gather rows
    embedded = jnp.take(embed_table, raw_seqs, axis=0)
    # return F.relu(self.linear(embedded))
    out = jax.nn.relu(jnp.dot(embedded, W) + b)
    return out

if __name__ == "__main__":
    import jax
    _d = setup_inputs()
    print(jax.jit(kernel)(*tuple(_d.values())))

</pallas_src>

<mosaic_0001>
#map = affine_map<(d0, d1) -> (0, 0)>
#map1 = affine_map<(d0, d1) -> (0, 0, 0)>
module attributes {stable_mosaic.version = 14 : i64} {
  func.func @k(%arg0: i32, %arg1: i32, %arg2: memref<1000003x64xf32, #tpu.memory_space<hbm>>, %arg3: memref<32x200x128xi32, #tpu.memory_space<hbm>>, %arg4: memref<819200x64xf32, #tpu.memory_space<hbm>>, %arg5: memref<200x128xi32, #tpu.memory_space<vmem>>, %arg6: memref<512x64xf32, #tpu.memory_space<vmem>>, %arg7: memref<512x64xf32, #tpu.memory_space<vmem>>, %arg8: memref<!tpu.dma_semaphore, #tpu.memory_space<semaphore_mem>>, %arg9: memref<!tpu.dma_semaphore, #tpu.memory_space<semaphore_mem>>, %arg10: memref<!tpu.dma_semaphore, #tpu.memory_space<semaphore_mem>>, %arg11: memref<!tpu.dma_semaphore, #tpu.memory_space<semaphore_mem>>) attributes {dimension_semantics = [#tpu.dimension_semantics<core_parallel>, #tpu.dimension_semantics<subcore_parallel>], iteration_bounds = array<i64: 2, 16>, scalar_prefetch = 0 : i64, scratch_operands = 7 : i64, tpu.core_type = #tpu.core_type<sc_vector_subcore>, window_params = [{transform_indices = #map}, {transform_indices = #map1}, {transform_indices = #map}]} {
    %mul3A = arith.constant 2 : i32
    %mul3A_0 = arith.muli %arg1, %mul3A : i32
    %add3A = arith.addi %mul3A_0, %arg0 : i32
    %mul3A_1 = arith.constant 200 : i32
    %mul3A_2 = arith.muli %add3A, %mul3A_1 : i32
    %mul3A_3 = arith.constant 128 : i32
    %mul3A_4 = arith.muli %mul3A_2, %mul3A_3 : i32
    "tpu.region"() ({
      %run_scoped3A = tpu.sem_alloc : memref<!tpu.dma_semaphore, #tpu.memory_space<semaphore_mem>>
      %dma_start3A_60 = arith.constant 0 : i32
      %dma_start3A_61 = arith.constant 0 : i32
      %dma_start3A_62 = tpu.memref_slice %arg3[%add3A, %dma_start3A_60, %dma_start3A_61] : memref<32x200x128xi32, #tpu.memory_space<hbm>> -> memref<1x200x128xi32, #tpu.memory_space<hbm>>
      %dma_start3A_63 = tpu.memref_squeeze %dma_start3A_62 : memref<1x200x128xi32, #tpu.memory_space<hbm>> -> memref<200x128xi32, #tpu.memory_space<hbm>>
      %dma_start3A_64 = arith.constant 0 : i32
      %dma_start3A_65 = arith.constant 0 : i32
      %dma_start3A_66 = tpu.memref_slice %arg3[%add3A, %dma_start3A_64, %dma_start3A_65] : memref<32x200x128xi32, #tpu.memory_space<hbm>> -> memref<1x200x128xi32, #tpu.memory_space<hbm>>
      %dma_start3A_67 = tpu.memref_squeeze %dma_start3A_66 : memref<1x200x128xi32, #tpu.memory_space<hbm>> -> memref<200x128xi32, #tpu.memory_space<hbm>>
      tpu.enqueue_dma source(%dma_start3A_67 : memref<200x128xi32, #tpu.memory_space<hbm>>) target(%arg5 : memref<200x128xi32, #tpu.memory_space<vmem>>) target_semaphore(%run_scoped3A : memref<!tpu.dma_semaphore, #tpu.memory_space<semaphore_mem>>)
      %dma_wait3A_68 = arith.constant 0 : i32
      %dma_wait3A_69 = arith.constant 0 : i32
      %dma_wait3A_70 = tpu.memref_slice %arg3[%add3A, %dma_wait3A_68, %dma_wait3A_69] : memref<32x200x128xi32, #tpu.memory_space<hbm>> -> memref<1x200x128xi32, #tpu.memory_space<hbm>>
      %dma_wait3A_71 = tpu.memref_squeeze %dma_wait3A_70 : memref<1x200x128xi32, #tpu.memory_space<hbm>> -> memref<200x128xi32, #tpu.memory_space<hbm>>
      %dma_wait3A_72 = arith.constant 0 : i32
      %dma_wait3A_73 = arith.constant 0 : i32
      %dma_wait3A_74 = tpu.memref_slice %arg3[%add3A, %dma_wait3A_72, %dma_wait3A_73] : memref<32x200x128xi32, #tpu.memory_space<hbm>> -> memref<1x200x128xi32, #tpu.memory_space<hbm>>
      %dma_wait3A_75 = tpu.memref_squeeze %dma_wait3A_74 : memref<1x200x128xi32, #tpu.memory_space<hbm>> -> memref<200x128xi32, #tpu.memory_space<hbm>>
      tpu.wait_dma2 semaphore(%run_scoped3A : memref<!tpu.dma_semaphore, #tpu.memory_space<semaphore_mem>>) src(%dma_wait3A_75 : memref<200x128xi32, #tpu.memory_space<hbm>>) dst(%arg5 : memref<200x128xi32, #tpu.memory_space<vmem>>)
      tpu.yield
    }) : () -> ()
    %dma_start3A = arith.constant 0 : i32
    %dma_start3A_5 = arith.constant 0 : i32
    %dma_start3A_6 = arith.constant 0 : i32
    %dma_start3A_7 = tpu.memref_slice %arg6[%dma_start3A_5, %dma_start3A_6] : memref<512x64xf32, #tpu.memory_space<vmem>> -> memref<128x64xf32, #tpu.memory_space<vmem>>
    %dma_start3A_8 = arith.constant 0 : i32
    %dma_start3A_9 = tpu.memref_slice %arg5[%dma_start3A, %dma_start3A_8] : memref<200x128xi32, #tpu.memory_space<vmem>> -> memref<1x128xi32, #tpu.memory_space<vmem>>
    %dma_start3A_10 = tpu.memref_squeeze %dma_start3A_9 : memref<1x128xi32, #tpu.memory_space<vmem>> -> memref<128xi32, #tpu.memory_space<vmem>>
    %dma_start3A_11 = arith.constant 0 : i32
    %dma_start3A_12 = arith.constant 0 : i32
    %dma_start3A_13 = tpu.memref_slice %arg2[%dma_start3A_11, %dma_start3A_12] : memref<1000003x64xf32, #tpu.memory_space<hbm>> -> memref<1000003x64xf32, #tpu.memory_space<hbm>>
    tpu.enqueue_indirect_dma source(%dma_start3A_13 : memref<1000003x64xf32, #tpu.memory_space<hbm>>) target(%dma_start3A_7 : memref<128x64xf32, #tpu.memory_space<vmem>>) offsets(%dma_start3A_10 : memref<128xi32, #tpu.memory_space<vmem>>) semaphore(%arg8 : memref<!tpu.dma_semaphore, #tpu.memory_space<semaphore_mem>>)
    %dma_start3A_14 = arith.constant 1 : i32
    %dma_start3A_15 = arith.constant 128 : i32
    %dma_start3A_16 = arith.constant 0 : i32
    %dma_start3A_17 = tpu.memref_slice %arg6[%dma_start3A_15, %dma_start3A_16] : memref<512x64xf32, #tpu.memory_space<vmem>> -> memref<128x64xf32, #tpu.memory_space<vmem>>
    %dma_start3A_18 = arith.constant 0 : i32
    %dma_start3A_19 = tpu.memref_slice %arg5[%dma_start3A_14, %dma_start3A_18] : memref<200x128xi32, #tpu.memory_space<vmem>> -> memref<1x128xi32, #tpu.memory_space<vmem>>
    %dma_start3A_20 = tpu.memref_squeeze %dma_start3A_19 : memref<1x128xi32, #tpu.memory_space<vmem>> -> memref<128xi32, #tpu.memory_space<vmem>>
    %dma_start3A_21 = arith.constant 0 : i32
    %dma_start3A_22 = arith.constant 0 : i32
    %dma_start3A_23 = tpu.memref_slice %arg2[%dma_start3A_21, %dma_start3A_22] : memref<1000003x64xf32, #tpu.memory_space<hbm>> -> memref<1000003x64xf32, #tpu.memory_space<hbm>>
    tpu.enqueue_indirect_dma source(%dma_start3A_23 : memref<1000003x64xf32, #tpu.memory_space<hbm>>) target(%dma_start3A_17 : memref<128x64xf32, #tpu.memory_space<vmem>>) offsets(%dma_start3A_20 : memref<128xi32, #tpu.memory_space<vmem>>) semaphore(%arg8 : memref<!tpu.dma_semaphore, #tpu.memory_space<semaphore_mem>>)
    %dma_start3A_24 = arith.constant 2 : i32
    %dma_start3A_25 = arith.constant 256 : i32
    %dma_start3A_26 = arith.constant 0 : i32
    %dma_start3A_27 = tpu.memref_slice %arg6[%dma_start3A_25, %dma_start3A_26] : memref<512x64xf32, #tpu.memory_space<vmem>> -> memref<128x64xf32, #tpu.memory_space<vmem>>
    %dma_start3A_28 = arith.constant 0 : i32
    %dma_start3A_29 = tpu.memref_slice %arg5[%dma_start3A_24, %dma_start3A_28] : memref<200x128xi32, #tpu.memory_space<vmem>> -> memref<1x128xi32, #tpu.memory_space<vmem>>
    %dma_start3A_30 = tpu.memref_squeeze %dma_start3A_29 : memref<1x128xi32, #tpu.memory_space<vmem>> -> memref<128xi32, #tpu.memory_space<vmem>>
    %dma_start3A_31 = arith.constant 0 : i32
    %dma_start3A_32 = arith.constant 0 : i32
    %dma_start3A_33 = tpu.memref_slice %arg2[%dma_start3A_31, %dma_start3A_32] : memref<1000003x64xf32, #tpu.memory_space<hbm>> -> memref<1000003x64xf32, #tpu.memory_space<hbm>>
    tpu.enqueue_indirect_dma source(%dma_start3A_33 : memref<1000003x64xf32, #tpu.memory_space<hbm>>) target(%dma_start3A_27 : memref<128x64xf32, #tpu.memory_space<vmem>>) offsets(%dma_start3A_30 : memref<128xi32, #tpu.memory_space<vmem>>) semaphore(%arg8 : memref<!tpu.dma_semaphore, #tpu.memory_space<semaphore_mem>>)
    %dma_start3A_34 = arith.constant 3 : i32
    %dma_start3A_35 = arith.constant 384 : i32
    %dma_start3A_36 = arith.constant 0 : i32
    %dma_start3A_37 = tpu.memref_slice %arg6[%dma_start3A_35, %dma_start3A_36] : memref<512x64xf32, #tpu.memory_space<vmem>> -> memref<128x64xf32, #tpu.memory_space<vmem>>
    %dma_start3A_38 = arith.constant 0 : i32
    %dma_start3A_39 = tpu.memref_slice %arg5[%dma_start3A_34, %dma_start3A_38] : memref<200x128xi32, #tpu.memory_space<vmem>> -> memref<1x128xi32, #tpu.memory_space<vmem>>
    %dma_start3A_40 = tpu.memref_squeeze %dma_start3A_39 : memref<1x128xi32, #tpu.memory_space<vmem>> -> memref<128xi32, #tpu.memory_space<vmem>>
    %dma_start3A_41 = arith.constant 0 : i32
    %dma_start3A_42 = arith.constant 0 : i32
    %dma_start3A_43 = tpu.memref_slice %arg2[%dma_start3A_41, %dma_start3A_42] : memref<1000003x64xf32, #tpu.memory_space<hbm>> -> memref<1000003x64xf32, #tpu.memory_space<hbm>>
    tpu.enqueue_indirect_dma source(%dma_start3A_43 : memref<1000003x64xf32, #tpu.memory_space<hbm>>) target(%dma_start3A_37 : memref<128x64xf32, #tpu.memory_space<vmem>>) offsets(%dma_start3A_40 : memref<128xi32, #tpu.memory_space<vmem>>) semaphore(%arg8 : memref<!tpu.dma_semaphore, #tpu.memory_space<semaphore_mem>>)
    %scan3A = arith.constant 0 : i32
    %scan3A_44 = arith.constant 0 : i32
    %scan3A_45 = arith.constant 25 : i32
    %scan3A_46 = arith.addi %scan3A_44, %scan3A_45 : i32
    %scan3A_47 = arith.constant 1 : i32
    scf.for %scan3A_60 = %scan3A_44 to %scan3A_46 step %scan3A_47  : i32 {
      %mul3A_61 = arith.constant 2 : i32
      %mul3A_62 = arith.muli %mul3A_61, %scan3A_60 : i32
      %mul3A_63 = arith.constant 2 : i32
      %mul3A_64 = arith.muli %mul3A_63, %scan3A_60 : i32
      %add3A_65 = arith.constant 1 : i32
      %add3A_66 = arith.addi %mul3A_64, %add3A_65 : i32
      %dma_wait3A_67 = arith.constant 0 : i32
      %dma_wait3A_68 = arith.constant 0 : i32
      %dma_wait3A_69 = tpu.memref_slice %arg2[%dma_wait3A_67, %dma_wait3A_68] : memref<1000003x64xf32, #tpu.memory_space<hbm>> -> memref<512x64xf32, #tpu.memory_space<hbm>>
      %dma_wait3A_70 = arith.constant 0 : i32
      %dma_wait3A_71 = arith.constant 0 : i32
      %dma_wait3A_72 = tpu.memref_slice %arg2[%dma_wait3A_70, %dma_wait3A_71] : memref<1000003x64xf32, #tpu.memory_space<hbm>> -> memref<512x64xf32, #tpu.memory_space<hbm>>
      tpu.wait_dma2 semaphore(%arg8 : memref<!tpu.dma_semaphore, #tpu.memory_space<semaphore_mem>>) src(%dma_wait3A_72 : memref<512x64xf32, #tpu.memory_space<hbm>>) dst(%arg6 : memref<512x64xf32, #tpu.memory_space<vmem>>)
      %gt3A = arith.constant 0 : i32
      %gt3A_73 = arith.cmpi sgt, %scan3A_60, %gt3A : i32
      %convert_element_type3A = arith.extui %gt3A_73 : i1 to i32
      %cond3A = arith.constant 0 : i32
      %cond3A_74 = arith.cmpi ne, %convert_element_type3A, %cond3A : i32
      scf.if %cond3A_74 {
        %dma_wait3A_153 = arith.constant 0 : i32
        %dma_wait3A_154 = arith.constant 0 : i32
        %dma_wait3A_155 = tpu.memref_slice %arg4[%dma_wait3A_153, %dma_wait3A_154] : memref<819200x64xf32, #tpu.memory_space<hbm>> -> memref<512x64xf32, #tpu.memory_space<hbm>>
        %dma_wait3A_156 = arith.constant 0 : i32
        %dma_wait3A_157 = arith.constant 0 : i32
        %dma_wait3A_158 = tpu.memref_slice %arg4[%dma_wait3A_156, %dma_wait3A_157] : memref<819200x64xf32, #tpu.memory_space<hbm>> -> memref<512x64xf32, #tpu.memory_space<hbm>>
        tpu.wait_dma2 semaphore(%arg11 : memref<!tpu.dma_semaphore, #tpu.memory_space<semaphore_mem>>) src(%arg7 : memref<512x64xf32, #tpu.memory_space<vmem>>) dst(%dma_wait3A_158 : memref<512x64xf32, #tpu.memory_space<hbm>>)
      } else {
      }
      %mul3A_75 = arith.constant 4 : i32
      %mul3A_76 = arith.muli %add3A_66, %mul3A_75 : i32
      %add3A_77 = arith.constant 0 : i32
      %add3A_78 = arith.addi %mul3A_76, %add3A_77 : i32
      %dma_start3A_79 = arith.constant 0 : i32
      %dma_start3A_80 = arith.constant 0 : i32
      %dma_start3A_81 = tpu.memref_slice %arg7[%dma_start3A_79, %dma_start3A_80] : memref<512x64xf32, #tpu.memory_space<vmem>> -> memref<128x64xf32, #tpu.memory_space<vmem>>
      %dma_start3A_82 = arith.constant 0 : i32
      %dma_start3A_83 = tpu.memref_slice %arg5[%add3A_78, %dma_start3A_82] : memref<200x128xi32, #tpu.memory_space<vmem>> -> memref<1x128xi32, #tpu.memory_space<vmem>>
      %dma_start3A_84 = tpu.memref_squeeze %dma_start3A_83 : memref<1x128xi32, #tpu.memory_space<vmem>> -> memref<128xi32, #tpu.memory_space<vmem>>
      %dma_start3A_85 = arith.constant 0 : i32
      %dma_start3A_86 = arith.constant 0 : i32
      %dma_start3A_87 = tpu.memref_slice %arg2[%dma_start3A_85, %dma_start3A_86] : memref<1000003x64xf32, #tpu.memory_space<hbm>> -> memref<1000003x64xf32, #tpu.memory_space<hbm>>
      tpu.enqueue_indirect_dma source(%dma_start3A_87 : memref<1000003x64xf32, #tpu.memory_space<hbm>>) target(%dma_start3A_81 : memref<128x64xf32, #tpu.memory_space<vmem>>) offsets(%dma_start3A_84 : memref<128xi32, #tpu.memory_space<vmem>>) semaphore(%arg9 : memref<!tpu.dma_semaphore, #tpu.memory_space<semaphore_mem>>)
      %mul3A_88 = arith.constant 4 : i32
      %mul3A_89 = arith.muli %add3A_66, %mul3A_88 : i32
      %add3A_90 = arith.constant 1 : i32
      %add3A_91 = arith.addi %mul3A_89, %add3A_90 : i32
      %dma_start3A_92 = arith.constant 128 : i32
      %dma_start3A_93 = arith.constant 0 : i32
      %dma_start3A_94 = tpu.memref_slice %arg7[%dma_start3A_92, %dma_start3A_93] : memref<512x64xf32, #tpu.memory_space<vmem>> -> memref<128x64xf32, #tpu.memory_space<vmem>>
      %dma_start3A_95 = arith.constant 0 : i32
      %dma_start3A_96 = tpu.memref_slice %arg5[%add3A_91, %dma_start3A_95] : memref<200x128xi32, #tpu.memory_space<vmem>> -> memref<1x128xi32, #tpu.memory_space<vmem>>
      %dma_start3A_97 = tpu.memref_squeeze %dma_start3A_96 : memref<1x128xi32, #tpu.memory_space<vmem>> -> memref<128xi32, #tpu.memory_space<vmem>>
      %dma_start3A_98 = arith.constant 0 : i32
      %dma_start3A_99 = arith.constant 0 : i32
      %dma_start3A_100 = tpu.memref_slice %arg2[%dma_start3A_98, %dma_start3A_99] : memref<1000003x64xf32, #tpu.memory_space<hbm>> -> memref<1000003x64xf32, #tpu.memory_space<hbm>>
      tpu.enqueue_indirect_dma source(%dma_start3A_100 : memref<1000003x64xf32, #tpu.memory_space<hbm>>) target(%dma_start3A_94 : memref<128x64xf32, #tpu.memory_space<vmem>>) offsets(%dma_start3A_97 : memref<128xi32, #tpu.memory_space<vmem>>) semaphore(%arg9 : memref<!tpu.dma_semaphore, #tpu.memory_space<semaphore_mem>>)
      %mul3A_101 = arith.constant 4 : i32
      %mul3A_102 = arith.muli %add3A_66, %mul3A_101 : i32
      %add3A_103 = arith.constant 2 : i32
      %add3A_104 = arith.addi %mul3A_102, %add3A_103 : i32
      %dma_start3A_105 = arith.constant 256 : i32
      %dma_start3A_106 = arith.constant 0 : i32
      %dma_start3A_107 = tpu.memref_slice %arg7[%dma_start3A_105, %dma_start3A_106] : memref<512x64xf32, #tpu.memory_space<vmem>> -> memref<128x64xf32, #tpu.memory_space<vmem>>
      %dma_start3A_108 = arith.constant 0 : i32
      %dma_start3A_109 = tpu.memref_slice %arg5[%add3A_104, %dma_start3A_108] : memref<200x128xi32, #tpu.memory_space<vmem>> -> memref<1x128xi32, #tpu.memory_space<vmem>>
      %dma_start3A_110 = tpu.memref_squeeze %dma_start3A_109 : memref<1x128xi32, #tpu.memory_space<vmem>> -> memref<128xi32, #tpu.memory_space<vmem>>
      %dma_start3A_111 = arith.constant 0 : i32
      %dma_start3A_112 = arith.constant 0 : i32
      %dma_start3A_113 = tpu.memref_slice %arg2[%dma_start3A_111, %dma_start3A_112] : memref<1000003x64xf32, #tpu.memory_space<hbm>> -> memref<1000003x64xf32, #tpu.memory_space<hbm>>
      tpu.enqueue_indirect_dma source(%dma_start3A_113 : memref<1000003x64xf32, #tpu.memory_space<hbm>>) target(%dma_start3A_107 : memref<128x64xf32, #tpu.memory_space<vmem>>) offsets(%dma_start3A_110 : memref<128xi32, #tpu.memory_space<vmem>>) semaphore(%arg9 : memref<!tpu.dma_semaphore, #tpu.memory_space<semaphore_mem>>)
      %mul3A_114 = arith.constant 4 : i32
      %mul3A_115 = arith.muli %add3A_66, %mul3A_114 : i32
      %add3A_116 = arith.constant 3 : i32
      %add3A_117 = arith.addi %mul3A_115, %add3A_116 : i32
      %dma_start3A_118 = arith.constant 384 : i32
      %dma_start3A_119 = arith.constant 0 : i32
      %dma_start3A_120 = tpu.memref_slice %arg7[%dma_start3A_118, %dma_start3A_119] : memref<512x64xf32, #tpu.memory_space<vmem>> -> memref<128x64xf32, #tpu.memory_space<vmem>>
      %dma_start3A_121 = arith.constant 0 : i32
      %dma_start3A_122 = tpu.memref_slice %arg5[%add3A_117, %dma_start3A_121] : memref<200x128xi32, #tpu.memory_space<vmem>> -> memref<1x128xi32, #tpu.memory_space<vmem>>
      %dma_start3A_123 = tpu.memref_squeeze %dma_start3A_122 : memref<1x128xi32, #tpu.memory_space<vmem>> -> memref<128xi32, #tpu.memory_space<vmem>>
      %dma_start3A_124 = arith.constant 0 : i32
      %dma_start3A_125 = arith.constant 0 : i32
      %dma_start3A_126 = tpu.memref_slice %arg2[%dma_start3A_124, %dma_start3A_125] : memref<1000003x64xf32, #tpu.memory_space<hbm>> -> memref<1000003x64xf32, #tpu.memory_space<hbm>>
      tpu.enqueue_indirect_dma source(%dma_start3A_126 : memref<1000003x64xf32, #tpu.memory_space<hbm>>) target(%dma_start3A_120 : memref<128x64xf32, #tpu.memory_space<vmem>>) offsets(%dma_start3A_123 : memref<128xi32, #tpu.memory_space<vmem>>) semaphore(%arg9 : memref<!tpu.dma_semaphore, #tpu.memory_space<semaphore_mem>>)
      %mul3A_127 = arith.constant 512 : i32
      %mul3A_128 = arith.muli %mul3A_62, %mul3A_127 : i32
      %add3A_129 = arith.addi %mul3A_4, %mul3A_128 : i32
      %dma_start3A_130 = arith.constant 0 : i32
      %dma_start3A_131 = tpu.memref_slice %arg4[%add3A_129, %dma_start3A_130] : memref<819200x64xf32, #tpu.memory_space<hbm>> -> memref<512x64xf32, #tpu.memory_space<hbm>>
      %dma_start3A_132 = arith.constant 0 : i32
      %dma_start3A_133 = tpu.memref_slice %arg4[%add3A_129, %dma_start3A_132] : memref<819200x64xf32, #tpu.memory_space<hbm>> -> memref<512x64xf32, #tpu.memory_space<hbm>>
      tpu.enqueue_dma source(%arg6 : memref<512x64xf32, #tpu.memory_space<vmem>>) target(%dma_start3A_133 : memref<512x64xf32, #tpu.memory_space<hbm>>) target_semaphore(%arg10 : memref<!tpu.dma_semaphore, #tpu.memory_space<semaphore_mem>>)
      %dma_wait3A_134 = arith.constant 0 : i32
      %dma_wait3A_135 = arith.constant 0 : i32
      %dma_wait3A_136 = tpu.memref_slice %arg2[%dma_wait3A_134, %dma_wait3A_135] : memref<1000003x64xf32, #tpu.memory_space<hbm>> -> memref<512x64xf32, #tpu.memory_space<hbm>>
      %dma_wait3A_137 = arith.constant 0 : i32
      %dma_wait3A_138 = arith.constant 0 : i32
      %dma_wait3A_139 = tpu.memref_slice %arg2[%dma_wait3A_137, %dma_wait3A_138] : memref<1000003x64xf32, #tpu.memory_space<hbm>> -> memref<512x64xf32, #tpu.memory_space<hbm>>
      tpu.wait_dma2 semaphore(%arg9 : memref<!tpu.dma_semaphore, #tpu.memory_space<semaphore_mem>>) src(%dma_wait3A_139 : memref<512x64xf32, #tpu.memory_space<hbm>>) dst(%arg7 : memref<512x64xf32, #tpu.memory_space<vmem>>)
      %add3A_140 = arith.constant 1 : i32
      %add3A_141 = arith.addi %add3A_66, %add3A_140 : i32
      %lt3A = arith.constant 50 : i32
      %lt3A_142 = arith.cmpi slt, %add3A_141, %lt3A : i32
      %convert_element_type3A_143 = arith.extui %lt3A_142 : i1 to i32
      %cond3A_144 = arith.constant 0 : i32
      %cond3A_145 = arith.cmpi ne, %convert_element_type3A_143, %cond3A_144 : i32
      scf.if %cond3A_145 {
        %dma_wait3A_153 = arith.constant 0 : i32
        %dma_wait3A_154 = arith.constant 0 : i32
        %dma_wait3A_155 = tpu.memref_slice %arg4[%dma_wait3A_153, %dma_wait3A_154] : memref<819200x64xf32, #tpu.memory_space<hbm>> -> memref<512x64xf32, #tpu.memory_space<hbm>>
        %dma_wait3A_156 = arith.constant 0 : i32
        %dma_wait3A_157 = arith.constant 0 : i32
        %dma_wait3A_158 = tpu.memref_slice %arg4[%dma_wait3A_156, %dma_wait3A_157] : memref<819200x64xf32, #tpu.memory_space<hbm>> -> memref<512x64xf32, #tpu.memory_space<hbm>>
        tpu.wait_dma2 semaphore(%arg10 : memref<!tpu.dma_semaphore, #tpu.memory_space<semaphore_mem>>) src(%arg6 : memref<512x64xf32, #tpu.memory_space<vmem>>) dst(%dma_wait3A_158 : memref<512x64xf32, #tpu.memory_space<hbm>>)
        %add3A_159 = arith.constant 1 : i32
        %add3A_160 = arith.addi %add3A_66, %add3A_159 : i32
        %mul3A_161 = arith.constant 4 : i32
        %mul3A_162 = arith.muli %add3A_160, %mul3A_161 : i32
        %add3A_163 = arith.constant 0 : i32
        %add3A_164 = arith.addi %mul3A_162, %add3A_163 : i32
        %dma_start3A_165 = arith.constant 0 : i32
        %dma_start3A_166 = arith.constant 0 : i32
        %dma_start3A_167 = tpu.memref_slice %arg6[%dma_start3A_165, %dma_start3A_166] : memref<512x64xf32, #tpu.memory_space<vmem>> -> memref<128x64xf32, #tpu.memory_space<vmem>>
        %dma_start3A_168 = arith.constant 0 : i32
        %dma_start3A_169 = tpu.memref_slice %arg5[%add3A_164, %dma_start3A_168] : memref<200x128xi32, #tpu.memory_space<vmem>> -> memref<1x128xi32, #tpu.memory_space<vmem>>
        %dma_start3A_170 = tpu.memref_squeeze %dma_start3A_169 : memref<1x128xi32, #tpu.memory_space<vmem>> -> memref<128xi32, #tpu.memory_space<vmem>>
        %dma_start3A_171 = arith.constant 0 : i32
        %dma_start3A_172 = arith.constant 0 : i32
        %dma_start3A_173 = tpu.memref_slice %arg2[%dma_start3A_171, %dma_start3A_172] : memref<1000003x64xf32, #tpu.memory_space<hbm>> -> memref<1000003x64xf32, #tpu.memory_space<hbm>>
        tpu.enqueue_indirect_dma source(%dma_start3A_173 : memref<1000003x64xf32, #tpu.memory_space<hbm>>) target(%dma_start3A_167 : memref<128x64xf32, #tpu.memory_space<vmem>>) offsets(%dma_start3A_170 : memref<128xi32, #tpu.memory_space<vmem>>) semaphore(%arg8 : memref<!tpu.dma_semaphore, #tpu.memory_space<semaphore_mem>>)
        %mul3A_174 = arith.constant 4 : i32
        %mul3A_175 = arith.muli %add3A_160, %mul3A_174 : i32
        %add3A_176 = arith.constant 1 : i32
        %add3A_177 = arith.addi %mul3A_175, %add3A_176 : i32
        %dma_start3A_178 = arith.constant 128 : i32
        %dma_start3A_179 = arith.constant 0 : i32
        %dma_start3A_180 = tpu.memref_slice %arg6[%dma_start3A_178, %dma_start3A_179] : memref<512x64xf32, #tpu.memory_space<vmem>> -> memref<128x64xf32, #tpu.memory_space<vmem>>
        %dma_start3A_181 = arith.constant 0 : i32
        %dma_start3A_182 = tpu.memref_slice %arg5[%add3A_177, %dma_start3A_181] : memref<200x128xi32, #tpu.memory_space<vmem>> -> memref<1x128xi32, #tpu.memory_space<vmem>>
        %dma_start3A_183 = tpu.memref_squeeze %dma_start3A_182 : memref<1x128xi32, #tpu.memory_space<vmem>> -> memref<128xi32, #tpu.memory_space<vmem>>
        %dma_start3A_184 = arith.constant 0 : i32
        %dma_start3A_185 = arith.constant 0 : i32
        %dma_start3A_186 = tpu.memref_slice %arg2[%dma_start3A_184, %dma_start3A_185] : memref<1000003x64xf32, #tpu.memory_space<hbm>> -> memref<1000003x64xf32, #tpu.memory_space<hbm>>
        tpu.enqueue_indirect_dma source(%dma_start3A_186 : memref<1000003x64xf32, #tpu.memory_space<hbm>>) target(%dma_start3A_180 : memref<128x64xf32, #tpu.memory_space<vmem>>) offsets(%dma_start3A_183 : memref<128xi32, #tpu.memory_space<vmem>>) semaphore(%arg8 : memref<!tpu.dma_semaphore, #tpu.memory_space<semaphore_mem>>)
        %mul3A_187 = arith.constant 4 : i32
        %mul3A_188 = arith.muli %add3A_160, %mul3A_187 : i32
        %add3A_189 = arith.constant 2 : i32
        %add3A_190 = arith.addi %mul3A_188, %add3A_189 : i32
        %dma_start3A_191 = arith.constant 256 : i32
        %dma_start3A_192 = arith.constant 0 : i32
        %dma_start3A_193 = tpu.memref_slice %arg6[%dma_start3A_191, %dma_start3A_192] : memref<512x64xf32, #tpu.memory_space<vmem>> -> memref<128x64xf32, #tpu.memory_space<vmem>>
        %dma_start3A_194 = arith.constant 0 : i32
        %dma_start3A_195 = tpu.memref_slice %arg5[%add3A_190, %dma_start3A_194] : memref<200x128xi32, #tpu.memory_space<vmem>> -> memref<1x128xi32, #tpu.memory_space<vmem>>
        %dma_start3A_196 = tpu.memref_squeeze %dma_start3A_195 : memref<1x128xi32, #tpu.memory_space<vmem>> -> memref<128xi32, #tpu.memory_space<vmem>>
        %dma_start3A_197 = arith.constant 0 : i32
        %dma_start3A_198 = arith.constant 0 : i32
        %dma_start3A_199 = tpu.memref_slice %arg2[%dma_start3A_197, %dma_start3A_198] : memref<1000003x64xf32, #tpu.memory_space<hbm>> -> memref<1000003x64xf32, #tpu.memory_space<hbm>>
        tpu.enqueue_indirect_dma source(%dma_start3A_199 : memref<1000003x64xf32, #tpu.memory_space<hbm>>) target(%dma_start3A_193 : memref<128x64xf32, #tpu.memory_space<vmem>>) offsets(%dma_start3A_196 : memref<128xi32, #tpu.memory_space<vmem>>) semaphore(%arg8 : memref<!tpu.dma_semaphore, #tpu.memory_space<semaphore_mem>>)
        %mul3A_200 = arith.constant 4 : i32
        %mul3A_201 = arith.muli %add3A_160, %mul3A_200 : i32
        %add3A_202 = arith.constant 3 : i32
        %add3A_203 = arith.addi %mul3A_201, %add3A_202 : i32
        %dma_start3A_204 = arith.constant 384 : i32
        %dma_start3A_205 = arith.constant 0 : i32
        %dma_start3A_206 = tpu.memref_slice %arg6[%dma_start3A_204, %dma_start3A_205] : memref<512x64xf32, #tpu.memory_space<vmem>> -> memref<128x64xf32, #tpu.memory_space<vmem>>
        %dma_start3A_207 = arith.constant 0 : i32
        %dma_start3A_208 = tpu.memref_slice %arg5[%add3A_203, %dma_start3A_207] : memref<200x128xi32, #tpu.memory_space<vmem>> -> memref<1x128xi32, #tpu.memory_space<vmem>>
        %dma_start3A_209 = tpu.memref_squeeze %dma_start3A_208 : memref<1x128xi32, #tpu.memory_space<vmem>> -> memref<128xi32, #tpu.memory_space<vmem>>
        %dma_start3A_210 = arith.constant 0 : i32
        %dma_start3A_211 = arith.constant 0 : i32
        %dma_start3A_212 = tpu.memref_slice %arg2[%dma_start3A_210, %dma_start3A_211] : memref<1000003x64xf32, #tpu.memory_space<hbm>> -> memref<1000003x64xf32, #tpu.memory_space<hbm>>
        tpu.enqueue_indirect_dma source(%dma_start3A_212 : memref<1000003x64xf32, #tpu.memory_space<hbm>>) target(%dma_start3A_206 : memref<128x64xf32, #tpu.memory_space<vmem>>) offsets(%dma_start3A_209 : memref<128xi32, #tpu.memory_space<vmem>>) semaphore(%arg8 : memref<!tpu.dma_semaphore, #tpu.memory_space<semaphore_mem>>)
      } else {
      }
      %mul3A_146 = arith.constant 512 : i32
      %mul3A_147 = arith.muli %add3A_66, %mul3A_146 : i32
      %add3A_148 = arith.addi %mul3A_4, %mul3A_147 : i32
      %dma_start3A_149 = arith.constant 0 : i32
      %dma_start3A_150 = tpu.memref_slice %arg4[%add3A_148, %dma_start3A_149] : memref<819200x64xf32, #tpu.memory_space<hbm>> -> memref<512x64xf32, #tpu.memory_space<hbm>>
      %dma_start3A_151 = arith.constant 0 : i32
      %dma_start3A_152 = tpu.memref_slice %arg4[%add3A_148, %dma_start3A_151] : memref<819200x64xf32, #tpu.memory_space<hbm>> -> memref<512x64xf32, #tpu.memory_space<hbm>>
      tpu.enqueue_dma source(%arg7 : memref<512x64xf32, #tpu.memory_space<vmem>>) target(%dma_start3A_152 : memref<512x64xf32, #tpu.memory_space<hbm>>) target_semaphore(%arg11 : memref<!tpu.dma_semaphore, #tpu.memory_space<semaphore_mem>>)
    }
    %scan3A_48 = arith.constant 25 : i32
    %dma_wait3A = arith.constant 0 : i32
    %dma_wait3A_49 = arith.constant 0 : i32
    %dma_wait3A_50 = tpu.memref_slice %arg4[%dma_wait3A, %dma_wait3A_49] : memref<819200x64xf32, #tpu.memory_space<hbm>> -> memref<512x64xf32, #tpu.memory_space<hbm>>
    %dma_wait3A_51 = arith.constant 0 : i32
    %dma_wait3A_52 = arith.constant 0 : i32
    %dma_wait3A_53 = tpu.memref_slice %arg4[%dma_wait3A_51, %dma_wait3A_52] : memref<819200x64xf32, #tpu.memory_space<hbm>> -> memref<512x64xf32, #tpu.memory_space<hbm>>
    tpu.wait_dma2 semaphore(%arg10 : memref<!tpu.dma_semaphore, #tpu.memory_space<semaphore_mem>>) src(%arg6 : memref<512x64xf32, #tpu.memory_space<vmem>>) dst(%dma_wait3A_53 : memref<512x64xf32, #tpu.memory_space<hbm>>)
    %dma_wait3A_54 = arith.constant 0 : i32
    %dma_wait3A_55 = arith.constant 0 : i32
    %dma_wait3A_56 = tpu.memref_slice %arg4[%dma_wait3A_54, %dma_wait3A_55] : memref<819200x64xf32, #tpu.memory_space<hbm>> -> memref<512x64xf32, #tpu.memory_space<hbm>>
    %dma_wait3A_57 = arith.constant 0 : i32
    %dma_wait3A_58 = arith.constant 0 : i32
    %dma_wait3A_59 = tpu.memref_slice %arg4[%dma_wait3A_57, %dma_wait3A_58] : memref<819200x64xf32, #tpu.memory_space<hbm>> -> memref<512x64xf32, #tpu.memory_space<hbm>>
    tpu.wait_dma2 semaphore(%arg11 : memref<!tpu.dma_semaphore, #tpu.memory_space<semaphore_mem>>) src(%arg7 : memref<512x64xf32, #tpu.memory_space<vmem>>) dst(%dma_wait3A_59 : memref<512x64xf32, #tpu.memory_space<hbm>>)
    return
  }
}

module attributes {stable_mosaic.version = 14 : i64} {
  func.func @body(%arg0: i32, %arg1: memref<1024x64xf32, #tpu.memory_space<vmem>>, %arg2: memref<64x64xf32, #tpu.memory_space<vmem>>, %arg3: memref<1x64xf32, #tpu.memory_space<vmem>>, %arg4: memref<1024x64xf32, #tpu.memory_space<vmem>>) attributes {dimension_semantics = [#tpu.dimension_semantics<arbitrary>], iteration_bounds = array<i64: 977>, scalar_prefetch = 0 : i64, scratch_operands = 0 : i64, tpu.core_type = #tpu.core_type<tc>, window_params = [{transform_indices = @transform_0, window_bounds = array<i64: 1024, 64>}, {pipeline_mode = #tpu.pipeline_mode<synchronous>, transform_indices = @transform_1, window_bounds = array<i64: 64, 64>}, {pipeline_mode = #tpu.pipeline_mode<synchronous>, transform_indices = @transform_2, window_bounds = array<i64: 1, 64>}, {transform_indices = @transform_3, window_bounds = array<i64: 1024, 64>}]} {
    %get3A = arith.constant 0 : index
    %get3A_0 = arith.constant 0 : index
    %get3A_1 = vector.load %arg1[%get3A, %get3A_0] : memref<1024x64xf32, #tpu.memory_space<vmem>>, vector<1024x64xf32>
    %get3A_2 = arith.constant 0 : index
    %get3A_3 = arith.constant 0 : index
    %get3A_4 = vector.load %arg2[%get3A_2, %get3A_3] : memref<64x64xf32, #tpu.memory_space<vmem>>, vector<64x64xf32>
    %dot_general3A = arith.constant dense<0.000000e+00> : vector<1024x64xf32>
    %dot_general3A_5 = tpu.matmul %get3A_1, %get3A_4, %dot_general3A {dimension_numbers = #tpu.dot_dimension_numbers<[1], [0], [0], [1], [0, 0, 1, 1], [], []>, transpose_lhs_hint = false} : vector<1024x64xf32>, vector<64x64xf32>, vector<1024x64xf32> -> vector<1024x64xf32>
    %get3A_6 = arith.constant 0 : index
    %get3A_7 = arith.constant 0 : index
    %get3A_8 = vector.load %arg3[%get3A_6, %get3A_7] : memref<1x64xf32, #tpu.memory_space<vmem>>, vector<1x64xf32>
    %add3A = vector.broadcast %get3A_8 : vector<1x64xf32> to vector<1024x64xf32>
    %add3A_9 = arith.addf %dot_general3A_5, %add3A : vector<1024x64xf32>
    %max3A = arith.constant 0.000000e+00 : f32
    %max3A_10 = vector.broadcast %max3A : f32 to vector<1024x64xf32>
    %max3A_11 = arith.maximumf %add3A_9, %max3A_10 : vector<1024x64xf32>
    %swap3A = arith.constant 0 : index
    %swap3A_12 = arith.constant 0 : index
    %swap3A_13 = vector.load %arg4[%swap3A, %swap3A_12] : memref<1024x64xf32, #tpu.memory_space<vmem>>, vector<1024x64xf32>
    tpu.vector_store %arg4[%swap3A, %swap3A_12], %max3A_11 {strides = array<i32>} : memref<1024x64xf32, #tpu.memory_space<vmem>>, vector<1024x64xf32>,
    return
  }
  func.func @transform_0(%arg0: i32) -> (i32, i32) {
    %c0_i32 = arith.constant 0 : i32
    %c0_i32_0 = arith.constant 0 : i32
    return %arg0, %c0_i32 : i32, i32
  }
  func.func @transform_1(%arg0: i32) -> (i32, i32) {
    %c0_i32 = arith.constant 0 : i32
    %c0_i32_0 = arith.constant 0 : i32
    %c0_i32_1 = arith.constant 0 : i32
    return %c0_i32, %c0_i32_0 : i32, i32
  }
  func.func @transform_2(%arg0: i32) -> (i32, i32) {
    %c0_i32 = arith.constant 0 : i32
    %c0_i32_0 = arith.constant 0 : i32
    %c0_i32_1 = arith.constant 0 : i32
    return %c0_i32, %c0_i32_0 : i32, i32
  }
  func.func @transform_3(%arg0: i32) -> (i32, i32) {
    %c0_i32 = arith.constant 0 : i32
    %c0_i32_0 = arith.constant 0 : i32
    return %arg0, %c0_i32 : i32, i32
  }
}

</mosaic_0001>

<sc_bundles>
// kernel: kernel.4.cloned.1.call-start
scs
__scs_entry_jumppad:
0x0: {  	(pc) =	sbr.rel $0x88, $3  }
0x1: {  	(tag) =	ssettag $0x0;
	lr =	simm.s32 $0x1  }
0x2: {  	[smem:$0x3F9D] =	sst lr;
	_ =	strace $0xD0000000  }
0x3: {  	_ = 	snop  }
0x4: {  	_ = 	snop  }
0x5: {  	_ = 	snop  }
0x6: {  	_ = 	snop  }
0x7: {  	_ = 	snop  }
__scs_overlays_trampoline_lowered:
0x8: {  	[smem:$0x3FAC] =	sst s0  }
0x9: {  	[smem:$0x3FAD] =	sst s1  }
0xa: {  	[smem:$0x3FAE] =	sst s2  }
0xb: {  	[smem:$0x3FAF] =	sst s3  }
0xc: {  	[smem:$0x3FB0] =	sst s4  }
0xd: {  	[smem:$0x3FB1] =	sst s5  }
0xe: {  	[smem:$0x3FB2] =	sst s6  }
0xf: {  	[smem:$0x3FB3] =	sst s7  }
0x10: {  	[smem:$0x3FB4] =	sst s8  }
0x11: {  	[smem:$0x3FB5] =	sst s9;
	s0 =	simm.s32 @!p0 $0x0  }
0x12: {  	s1 =	sld [smem:$0x3F9B];
	s0 =	simm.s32 @p0 $0x1  }
0x13: {  	[smem:$0x3FB6] =	sst s0;
	s0 =	simm.s32 @!p1 $0x0  }
0x14: {  	s2 =	sld [smem:$0x3F9A];
	s0 =	simm.s32 @p1 $0x1  }
0x15: {  	[smem:$0x3FB7] =	sst s0;
	s0 =	simm.s32 @!p2 $0x0  }
0x16: {  	s3 =	sld [smem:$0x3FDB];
	s0 =	simm.s32 @p2 $0x1  }
0x17: {  	s4 =	simm.s32 $0x1BF5;
	[smem:$0x3FB9] =	sst s0  }
0x18: {  	s0 =	sld [smem:$0x3F9C];
	_ =	swait.ge [sflag:s4], $0x0  }
0x19: {  	s7 =	sld [smem:$0x3F9D]  }
0x1a: {  	s8 =	sadd.s32 $0xFFFFE003, lr  }
0x1b: {  	s9 =	sadd.s32 $0xFFFFFEF7, lr;
	s5 =	simm.s32 $0xFFFFFFFF;
	p2 =	slt.u32 s8, $0xFFFFF086  }
0x1c: {  	p1 =	slt.u32 s9, $0xF7A;
	s5 =	simm.s32 @!p2 $0x0  }
0x1d: {  	s5 =	simm.s32 @p1 $0x1;
	p0 =	seq.s32 s7, s2  }
0x1e: {  	s7 =	smul.u32 @!p0 $0xF7A, s2;
	p2 =	seq.s32 @!p0 s5, $0x0  }
0x1f: {  	s9 =	smul.u32 $0xF7A, s1;
	s8 =	simm.s32 @!p0 $0x1BF5;
	p2 =	por !p2, p0  }
0x20: {  	[sflag:s8] =	ssyncset.s32 @!p0 $0xFFFFF086;
	s6 =	sadd.s32 @!p0 s3, s7;
	s7 =	simm.s32 @!p0 $0x108  }
0x21: {  	s3 =	sadd.s32 s3, s9;
	s6 =	sadd.s32 @!p0 $0x88, s6;
	s7 =	simm.s32 @p2 $0x1082  }
0x22: {  	[simem:s7], [sflag:s8] =	dma.local @!p0 [hbm:s6], $0xF7A  }
0x23: {  	s9 =	sor.u32 $0xD0000000, s2;
	s6 =	simm.s32 $0x108;
	_ =	swait.ge @!p0 [sflag:s8], $0x0  }
0x24: {  	s3 =	sadd.s32 $0x88, s3;
	s6 =	simm.s32 @!p1 $0x1082;
	[sflag:s4] =	ssyncset.s32 $0xFFFFF086  }
0x25: {  	[simem:s6], [sflag:s4] =	dma.local [hbm:s3], $0xF7A  }
0x26: {  	[smem:$0x3F9D] =	sst s1;
	(tag) =	ssettag s2;
	_ =	strace s9  }
0x27: {  	s1 =	sld [smem:$0x3FAD]  }
0x28: {  	s2 =	sld [smem:$0x3FAE]  }
0x29: {  	s4 =	sld [smem:$0x3FB0]  }
0x2a: {  	p0 =	seq.s32 s5, $0x0;
	s5 =	sld [smem:$0x3FB1]  }
0x2b: {  	s6 =	sld [smem:$0x3FB2]  }
0x2c: {  	s7 =	sld [smem:$0x3FB3]  }
0x2d: {  	s3 =	simm.s32 $0x108;
	s8 =	sld [smem:$0x3FB4]  }
0x2e: {  	s3 =	simm.s32 @!p0 $0x1082;
	s9 =	sld [smem:$0x3FB5]  }
0x2f: {  	lr =	sadd.s32 s0, s3;
	s0 =	sld [smem:$0x3FAC]  }
0x30: {  	s3 =	sld [smem:$0x3FAF]  }
0x31: {  	[smem:$0x3FB8] =	sst s10  }
0x32: {  	s10 =	sld [smem:$0x3FB6];
	_ =	sdelay $0x3  }
0x33: {  	p0 =	seq.s32 s10, $0x1;
	s10 =	sld [smem:$0x3FB8];
	_ =	sdelay $0x3  }
0x34: {  	[smem:$0x3FB8] =	sst s10  }
0x35: {  	s10 =	sld [smem:$0x3FB7];
	_ =	sdelay $0x3  }
0x36: {  	p1 =	seq.s32 s10, $0x1;
	s10 =	sld [smem:$0x3FB8];
	_ =	sdelay $0x3  }
0x37: {  	[smem:$0x3FB8] =	sst s10  }
0x38: {  	s10 =	sld [smem:$0x3FB9]  }
0x39: {  	_ = 	snop;
	(pc) =	sbr.ind lr, $3  }
0x3a: {  	_ = 	snop  }
0x3b: {  	_ = 	snop  }
0x3c: {  	p2 =	seq.s32 s10, $0x1;
	s10 =	sld [smem:$0x3FB8]  }
0x3d: {  	_ =	shalt  }
0x3e: {  	_ =	shalt  }
0x3f: {  	_ =	shalt  }
0x40: {  	_ =	shalt  }
0x41: {  	_ =	shalt  }
0x42: {  	_ =	shalt  }
0x43: {  	_ =	shalt  }
0x44: {  	_ =	shalt  }
0x45: {  	_ =	shalt  }
0x46: {  	_ =	shalt  }
0x47: {  	_ =	shalt  }
0x48: {  	_ =	shalt  }
0x49: {  	_ =	shalt  }
0x4a: {  	_ =	shalt  }
0x4b: {  	_ =	shalt  }
0x4c: {  	_ =	shalt  }
0x4d: {  	_ =	shalt  }
0x4e: {  	_ =	shalt  }
0x4f: {  	_ =	shalt  }
0x50: {  	_ =	shalt  }
0x51: {  	_ =	shalt  }
0x52: {  	_ =	shalt  }
0x53: {  	_ =	shalt  }
0x54: {  	_ =	shalt  }
0x55: {  	_ =	shalt  }
0x56: {  	_ =	shalt  }
0x57: {  	_ =	shalt  }
0x58: {  	_ =	shalt  }
0x59: {  	_ =	shalt  }
0x5a: {  	_ =	shalt  }
0x5b: {  	_ =	shalt  }
0x5c: {  	_ =	shalt  }
0x5d: {  	_ =	shalt  }
0x5e: {  	_ =	shalt  }
0x5f: {  	_ =	shalt  }
0x60: {  	_ =	shalt  }
0x61: {  	_ =	shalt  }
0x62: {  	_ =	shalt  }
0x63: {  	_ =	shalt  }
0x64: {  	_ =	shalt  }
0x65: {  	_ =	shalt  }
0x66: {  	_ =	shalt  }
0x67: {  	_ =	shalt  }
0x68: {  	_ =	shalt  }
0x69: {  	_ =	shalt  }
0x6a: {  	_ =	shalt  }
0x6b: {  	_ =	shalt  }
0x6c: {  	_ =	shalt  }
0x6d: {  	_ =	shalt  }
0x6e: {  	_ =	shalt  }
0x6f: {  	_ =	shalt  }
0x70: {  	_ =	shalt  }
0x71: {  	_ =	shalt  }
0x72: {  	_ =	shalt  }
0x73: {  	_ =	shalt  }
0x74: {  	_ =	shalt  }
0x75: {  	_ =	shalt  }
0x76: {  	_ =	shalt  }
0x77: {  	_ =	shalt  }
0x78: {  	_ =	shalt  }
0x79: {  	_ =	shalt  }
0x7a: {  	_ =	shalt  }
0x7b: {  	_ =	shalt  }
0x7c: {  	_ =	shalt  }
0x7d: {  	_ =	shalt  }
0x7e: {  	_ =	shalt  }
0x7f: {  	_ =	shalt  }
0x80: {  	_ =	shalt  }
0x81: {  	_ =	shalt  }
0x82: {  	_ =	shalt  }
0x83: {  	_ =	shalt  }
0x84: {  	_ =	shalt  }
0x85: {  	_ =	shalt  }
0x86: {  	_ =	shalt  }
0x87: {  	_ =	shalt  }
.Lfunc_end0:
.L_simem_size_0:
called_computation.1_lowered:
.L_overlay_start_0:
0x88: {  	s2 =	sld [smem:$0x3FD9]  }
0x89: {  	s3 =	sld [smem:$0x3FFE];
	_ =	sdelay $0x1  }
0x8a: {  	s1 =	srdreg.scid  }
0x8b: {  	s0 =	sand.u32 $0x1, s1  }
0x8c: {  	s17 =	sshll.u32 s0, $0xA;
	s2 =	sadd.s32 s3, s2  }
0x8d: {  	s2 =	sadd.s32 s2, s17  }
0x8e: {  	[smem:$0x3FC4] =	sst s2  }
0x8f: {  	_ = 	snop  }
0x90: {  	s2 =	sld [smem:$0x3FD0];
	(tm) =	ssettm $0x1  }
0x91: {  	s18 =	sld [smem:$0x3FFB];
	_ =	sdelay $0x3  }
0x92: {  	_ =	strace s18  }
0x93: {  	s3 =	sld [smem:$0x3FFC];
	_ =	sdelay $0x3  }
0x94: {  	_ =	strace s3  }
0x95: {  	s3 =	sld [smem:$0x3FFD];
	_ =	sdelay $0x3  }
0x96: {  	_ =	strace s3  }
0x97: {  	_ =	strace $0x8FFFFFFF  }
0x98: {  	s19 =	sld [smem:$0x3FDB];
	_ =	sdelay $0x1  }
0x99: {  	s4 =	simm.s32 $_scs_section_size  }
0x9a: {  	s5 =	simm.s32 $_size__tile_overlayer_lowered;
	s6 =	simm.s32 $_tile_overlayer_lowered  }
0x9b: {  	s22 =	simm.s32 $0x1BFF;
	s21 =	sshll.u32 s6, $0x1;
	s3 =	sadd.s32 s4, s19  }
0x9c: {  	s7 =	simm.s32 $0x0;
	s20 =	sshll.u32 s5, $0x1;
	s5 =	sadd.s32 s21, s3  }
0x9d: {  	[timem:s7], [sflag:s22] =	dma.local [hbm:s5], s20  }
0x9e: {  	_ =	swait.ge [sflag:s22], s20  }
0x9f: {  	s4 =	ssub.s32 $0x0, s20;
	[sflag:s22] =	ssyncset.done $0x0  }
0xa0: {  	[sflag:s22] =	ssyncadd.s32 s4;
	_ =	sdelay $0x1  }
0xa1: {  	s23 =	simm.s32 $0x1B8B  }
0xa2: {  	_ =	swait.ge [sflag:s23], $0x1  }
0xa3: {  	[sflag:s23] =	ssyncset.done $0x0  }
0xa4: {  	s25 =	simm.s32 $0x1B8E;
	s24 =	sld [smem:$0x3FFE];
	[sflag:s23] =	ssyncadd.s32 $0xFFFFFFFF  }
0xa5: {  	s26 =	simm.s32 $execute0_lowered;
	[smem:$0x3FD2] =	sst s25  }
0xa6: {  	s5 =	sshll.u32 s26, $0x1;
	_ =	strace $0x80000046;
	[dreg:$0x1] =	wrdreg $0xFFFFFFFF  }
0xa7: {  	s28 =	simm.s32 $_size_execute0_lowered;
	s3 =	sadd.s32 s3, s5;
	[dreg:$0x0] =	wrdreg $0x0  }
0xa8: {  	s5 =	sshll.u32 s28, $0x1;
	[dreg:$0x2] =	wrdreg s3  }
0xa9: {  	[dreg:$0x3] =	wrdreg s5  }
0xaa: {  	[dreg:$0x4] =	wrdreg $0xC0  }
0xab: {  	_ =	task [dreg:s7], $0x5FFFF  }
0xac: {  	[dreg:$0x1] =	wrdreg $0xFFFFFFFF  }
0xad: {  	[dreg:$0x0] =	wrdreg $0x60  }
0xae: {  	[dreg:$0x2] =	wrdreg s24  }
0xaf: {  	[dreg:$0x3] =	wrdreg s2  }
0xb0: {  	[dreg:$0x4] =	wrdreg $0x9  }
0xb1: {  	_ =	task.clear_ibuf [dreg:s7], $0x5FFFF;
	_ =	strace $0x90000046  }
0xb2: {  	s29 =	simm.s32 $0x9;
	_ =	strace $0x80000048  }
0xb3: {  	_ =	swait.ge [sflag:s29], $0x1  }
0xb4: {  	[sflag:s29] =	ssyncadd.s32 $0xFFFFFFFF  }
0xb5: {  	_ =	strace $0x90000048  }
0xb6: {  	_ =	sfence  }
0xb7: {  	s30 =	sld [smem:$0x0];
	_ =	sdelay $0x2  }
0xb8: {  	s31 =	sshll.u32 s1, $0xD;
	s1 =	sshrl.u32 s1, $0x2  }
0xb9: {  	s3 =	sand.u32 $0x4000, s31;
	s1 =	sadd.s32 s1, s30  }
0xba: {  	s0 =	sor.u32 s3, s0;
	s1 =	sshll.u32 s1, $0x11  }
0xbb: {  	s0 =	sor.u32 s1, s0  }
0xbc: {  	s0 =	sadd.s32 $0x8F2B, s0  }
0xbd: {  	[sflag:s0] =	ssyncadd.remote.s32 $0x1  }
0xbe: {  	_ =	sfence.sel $0xFFFF  }
0xbf: {  	[dreg:$0x0] =	wrdreg $0xFFFFFFFF;
	(pc) =	sbr.abs _section_cstart, $3  }
0xc0: {  	[dreg:$0x1] =	wrdreg $0xFFFFFFFF  }
0xc1: {  	_ =	task.clear_ibuf [dreg:s7], $0x2FFFF;
	_ =	strace $0x9FFFFFFF  }
0xc2: {  	(tm) =	ssettm $0x7FFFFFFF  }
0xc3: {  	_ =	shalt  }
tec
execute0_lowered:
.L_overlay_start_1:
0x0: {  	(tag) =	ssettag $0x1  }
0x1: {  	s0 =	rddreg [dreg:$0x0]  }
0x2: {  	s1 =	srdreg.scid;
	s8 =	stileid.u32  }
0x3: {  	s2 =	rddreg [dreg:$0x1];
	s3 =	simm.s32 $0x0;
	s13 =	simm.s32 $0x5  }
0x4: {  	s14 =	simm.s32 $0x80;
	s15 =	simm.s32 $0x6400;
	s16 =	simm.s32 $0x8400  }
0x5: {  	s18 =	simm.s32 $0xA400;
	s20 =	simm.s32 $0xC400;
	s21 =	simm.s32 $0x1  }
0x6: {  	s23 =	simm.s32 $0xE400;
	s28 =	simm.s32 $0x12400;
	s30 =	simm.s32 $0x14400  }
0x7: {  	s31 =	simm.s32 $0x2;
	s19 =	simm.s32 $0x0;
	s1 =	sand.u32 $0x1, s1  }
0x8: {  	s4 =	sshll.u32 s8, $0x1;
	[smem:$0x7FF] =	sst s3;
	s8 =	smul.u32 $0x320000, s8  }
0x9: {  	s4 =	sor.u32 s1, s4;
	s7 =	ssub.s32 $0x2, s1;
	s1 =	smul.u32 $0x190000, s1  }
0xa: {  	_ =	strace $0x80000047;
	s5 =	smul.u32 $0xC80, s4;
	s24 =	sshrl.u32 s7, $0x1  }
0xb: {  	s6 =	smul.u32 $0x190000, s4;
	s4 =	sadd.s32 $0xE00, s0;
	s7 =	ssub.s32 s7, s24  }
0xc: {  	s26 =	sadd.s32 s1, s8;
	s24 =	simm.s32 $0x4;
	s0 =	sadd.s32 s5, s0  }
0xd: {  	s25 =	sshrl.u32 s6, $0x3;
	s5 =	smax.u32 s7, $0x1;
	s1 =	sadd.s32 $0x18000, s26  }
0xe: {  	s11 =	sadd.s32 $0x10000, s26;
	s0 =	sadd.s32 $0x7A2200, s0;
	[dreg:$0x4] =	wrdreg s5  }
0xf: {  	s7 =	sadd.s32 s2, s25;
	s29 =	sshrl.u32 s1, $0x3;
	s25 =	simm.s32 $0x10400  }
0x10: {  	s1 =	simm.s32 $0x3;
	[dreg:$0x3] =	wrdreg s0;
	s8 =	sadd.s32 $0x1000, s7  }
0x11: {  	s9 =	sadd.s32 $0x30000, s7;
	s10 =	sadd.s32 $0x31000, s7;
	s0 =	sadd.s32 s29, s2  }
.LBB2_1:
0x12: {  	s5 =	rddreg [dreg:$0x3]  }
0x13: {  	[tilespmem:s3], [sflag:$0x5] =	stream.linear.gather [hbm4b:s5+s3], $0x6400, $0x38;
	[tilespmem:$0x16400] =	vst v63  }
0x14: {  	_ =	swait.ge [sflag:s13], $0x6400  }
0x15: {  	[sflag:s13] =	ssyncset.done $0x0  }
0x16: {  	[sflag:s13] =	ssyncadd.s32 $0xFFFF9C00  }
0x17: {  	[tilespmem:s15], [sflag:$0x1] =	stream.indirect.gather [hbm4b:s4+s14], $0x40, s3, s14, $0xb8;
	[tilespmem:$0x16400] =	vst v63  }
0x18: {  	_ = 	snop  }
0x19: {  	[tilespmem:s16], [sflag:$0x1] =	stream.indirect.gather [hbm4b:s4+s14], $0x40, s14, s14, $0xb8;
	[tilespmem:$0x16400] =	vst v63  }
0x1a: {  	s17 =	simm.s32 $0x100  }
0x1b: {  	[tilespmem:s18], [sflag:$0x1] =	stream.indirect.gather [hbm4b:s4+s14], $0x40, s17, s14, $0xb8;
	[tilespmem:$0x16400] =	vst v63  }
0x1c: {  	s22 =	simm.s32 $0x180  }
0x1d: {  	[tilespmem:s20], [sflag:$0x1] =	stream.indirect.gather [hbm4b:s4+s14], $0x40, s22, s14, $0xb8;
	[tilespmem:$0x16400] =	vst v63  }
0x1e: {  	_ =	swait.ge [sflag:s21], $0x8000  }
0x1f: {  	[sflag:s21] =	ssyncset.done $0x0  }
0x20: {  	s26 =	simm.s32 $0x200;
	[sflag:s21] =	ssyncadd.s32 $0xFFFF8000  }
0x21: {  	[tilespmem:s23], [sflag:$0x2] =	stream.indirect.gather [hbm4b:s4+s14], $0x40, s26, s14, $0xb8;
	[tilespmem:$0x16400] =	vst v63  }
0x22: {  	s6 =	simm.s32 $0x280  }
0x23: {  	[tilespmem:s25], [sflag:$0x2] =	stream.indirect.gather [hbm4b:s4+s14], $0x40, s6, s14, $0xb8;
	[tilespmem:$0x16400] =	vst v63  }
0x24: {  	s12 =	simm.s32 $0x300  }
0x25: {  	[tilespmem:s28], [sflag:$0x2] =	stream.indirect.gather [hbm4b:s4+s14], $0x40, s12, s14, $0xb8;
	[tilespmem:$0x16400] =	vst v63  }
0x26: {  	s17 =	simm.s32 $0x380  }
0x27: {  	[tilespmem:s30], [sflag:$0x2] =	stream.indirect.gather [hbm4b:s4+s14], $0x40, s17, s14, $0xb8;
	[tilespmem:$0x16400] =	vst v63  }
0x28: {  	_ = 	snop  }
0x29: {  	[hbm4b:s7+s3] =	stream.linear.scatter [tilespmem:s15], [sflag:$0x3], $0x8000, $0x38;
	[tilespmem:$0x16400] =	vst v63  }
0x2a: {  	_ =	swait.ge [sflag:s31], $0x8000  }
0x2b: {  	[sflag:s31] =	ssyncset.done $0x0  }
0x2c: {  	[sflag:s31] =	ssyncadd.s32 $0xFFFF8000  }
0x2d: {  	_ =	swait.ge [sflag:s1], $0x8000  }
0x2e: {  	[sflag:s1] =	ssyncset.done $0x0  }
0x2f: {  	s22 =	simm.s32 $0x400;
	[sflag:s1] =	ssyncadd.s32 $0xFFFF8000  }
0x30: {  	[tilespmem:s15], [sflag:$0x1] =	stream.indirect.gather [hbm4b:s4+s14], $0x40, s22, s14, $0xb8;
	[tilespmem:$0x16400] =	vst v63  }
0x31: {  	s26 =	simm.s32 $0x480  }
0x32: {  	[tilespmem:s16], [sflag:$0x1] =	stream.indirect.gather [hbm4b:s4+s14], $0x40, s26, s14, $0xb8;
	[tilespmem:$0x16400] =	vst v63  }
0x33: {  	s6 =	simm.s32 $0x500  }
0x34: {  	[tilespmem:s18], [sflag:$0x1] =	stream.indirect.gather [hbm4b:s4+s14], $0x40, s6, s14, $0xb8;
	[tilespmem:$0x16400] =	vst v63  }
0x35: {  	s12 =	simm.s32 $0x580  }
0x36: {  	[tilespmem:s20], [sflag:$0x1] =	stream.indirect.gather [hbm4b:s4+s14], $0x40, s12, s14, $0xb8;
	[tilespmem:$0x16400] =	vst v63  }
0x37: {  	_ = 	snop  }
0x38: {  	[hbm4b:s8+s3] =	stream.linear.scatter [tilespmem:s23], [sflag:$0x4], $0x8000, $0x38;
	[tilespmem:$0x16400] =	vst v63  }
0x39: {  	_ =	swait.ge [sflag:s21], $0x8000  }
0x3a: {  	[sflag:s21] =	ssyncset.done $0x0  }
0x3b: {  	[sflag:s21] =	ssyncadd.s32 $0xFFFF8000  }
0x3c: {  	_ =	swait.ge [sflag:s24], $0x8000  }
0x3d: {  	[sflag:s24] =	ssyncset.done $0x0  }
0x3e: {  	s12 =	simm.s32 $0x600;
	[sflag:s24] =	ssyncadd.s32 $0xFFFF8000  }
0x3f: {  	[tilespmem:s23], [sflag:$0x2] =	stream.indirect.gather [hbm4b:s4+s14], $0x40, s12, s14, $0xb8;
	[tilespmem:$0x16400] =	vst v63  }
0x40: {  	s17 =	simm.s32 $0x680  }
0x41: {  	[tilespmem:s25], [sflag:$0x2] =	stream.indirect.gather [hbm4b:s4+s14], $0x40, s17, s14, $0xb8;
	[tilespmem:$0x16400] =	vst v63  }
0x42: {  	s22 =	simm.s32 $0x700  }
0x43: {  	[tilespmem:s28], [sflag:$0x2] =	stream.indirect.gather [hbm4b:s4+s14], $0x40, s22, s14, $0xb8;
	[tilespmem:$0x16400] =	vst v63  }
0x44: {  	s26 =	simm.s32 $0x780;
	s22 =	sshrl.u32 s11, $0x3  }
0x45: {  	[tilespmem:s30], [sflag:$0x2] =	stream.indirect.gather [hbm4b:s4+s14], $0x40, s26, s14, $0xb8;
	[tilespmem:$0x16400] =	vst v63  }
0x46: {  	s5 =	sadd.s32 s2, s22  }
0x47: {  	[hbm4b:s5+s3] =	stream.linear.scatter [tilespmem:s15], [sflag:$0x3], $0x8000, $0x38;
	[tilespmem:$0x16400] =	vst v63  }
0x48: {  	_ =	swait.ge [sflag:s31], $0x8000  }
0x49: {  	[sflag:s31] =	ssyncset.done $0x0  }
0x4a: {  	[sflag:s31] =	ssyncadd.s32 $0xFFFF8000  }
0x4b: {  	_ =	swait.ge [sflag:s1], $0x8000  }
0x4c: {  	[sflag:s1] =	ssyncset.done $0x0  }
0x4d: {  	s6 =	simm.s32 $0x800;
	[sflag:s1] =	ssyncadd.s32 $0xFFFF8000  }
0x4e: {  	[tilespmem:s15], [sflag:$0x1] =	stream.indirect.gather [hbm4b:s4+s14], $0x40, s6, s14, $0xb8;
	[tilespmem:$0x16400] =	vst v63  }
0x4f: {  	s17 =	simm.s32 $0x880  }
0x50: {  	[tilespmem:s16], [sflag:$0x1] =	stream.indirect.gather [hbm4b:s4+s14], $0x40, s17, s14, $0xb8;
	[tilespmem:$0x16400] =	vst v63  }
0x51: {  	s22 =	simm.s32 $0x900  }
0x52: {  	[tilespmem:s18], [sflag:$0x1] =	stream.indirect.gather [hbm4b:s4+s14], $0x40, s22, s14, $0xb8;
	[tilespmem:$0x16400] =	vst v63  }
0x53: {  	s29 =	sadd.s32 $0x2000, s0;
	s26 =	simm.s32 $0x980  }
0x54: {  	[tilespmem:s20], [sflag:$0x1] =	stream.indirect.gather [hbm4b:s4+s14], $0x40, s26, s14, $0xb8;
	[tilespmem:$0x16400] =	vst v63  }
0x55: {  	s12 =	smov.u32 s0;
	s22 =	simm.s32 $0x1000;
	s26 =	sadd.s32 $0x10000, s11  }
.LBB2_2:
0x56: {  	[hbm4b:s12+s3] =	stream.linear.scatter [tilespmem:s23], [sflag:$0x4], $0x8000, $0x38;
	[tilespmem:$0x16400] =	vst v63  }
0x57: {  	s17 =	smov.u32 s22;
	s12 =	smov.u32 s29  }
0x58: {  	p0 =	sne.s32 s22, $0x16000;
	s22 =	sadd.s32 $0x1000, s22;
	_ =	swait.ge [sflag:s21], $0x8000  }
0x59: {  	[sflag:s21] =	ssyncset.done $0x0  }
0x5a: {  	[sflag:s21] =	ssyncadd.s32 $0xFFFF8000  }
0x5b: {  	_ =	swait.ge [sflag:s24], $0x8000  }
0x5c: {  	s17 =	sshra.s32 s17, $0x2;
	[sflag:s24] =	ssyncset.done $0x0  }
0x5d: {  	s5 =	sadd.s32 $0x600, s17;
	[sflag:s24] =	ssyncadd.s32 $0xFFFF8000  }
0x5e: {  	[tilespmem:s23], [sflag:$0x2] =	stream.indirect.gather [hbm4b:s4+s14], $0x40, s5, s14, $0xb8;
	[tilespmem:$0x16400] =	vst v63  }
0x5f: {  	s5 =	sadd.s32 $0x680, s17  }
0x60: {  	[tilespmem:s25], [sflag:$0x2] =	stream.indirect.gather [hbm4b:s4+s14], $0x40, s5, s14, $0xb8;
	[tilespmem:$0x16400] =	vst v63  }
0x61: {  	s5 =	sadd.s32 $0x700, s17  }
0x62: {  	[tilespmem:s28], [sflag:$0x2] =	stream.indirect.gather [hbm4b:s4+s14], $0x40, s5, s14, $0xb8;
	[tilespmem:$0x16400] =	vst v63  }
0x63: {  	s6 =	sshrl.u32 s26, $0x3;
	s5 =	sadd.s32 $0x780, s17  }
0x64: {  	[tilespmem:s30], [sflag:$0x2] =	stream.indirect.gather [hbm4b:s4+s14], $0x40, s5, s14, $0xb8;
	[tilespmem:$0x16400] =	vst v63  }
0x65: {  	s5 =	sadd.s32 s2, s6  }
0x66: {  	[hbm4b:s5+s3] =	stream.linear.scatter [tilespmem:s15], [sflag:$0x3], $0x8000, $0x38;
	[tilespmem:$0x16400] =	vst v63  }
0x67: {  	_ =	swait.ge [sflag:s31], $0x8000  }
0x68: {  	[sflag:s31] =	ssyncset.done $0x0  }
0x69: {  	[sflag:s31] =	ssyncadd.s32 $0xFFFF8000  }
0x6a: {  	_ =	swait.ge [sflag:s1], $0x8000  }
0x6b: {  	[sflag:s1] =	ssyncset.done $0x0  }
0x6c: {  	s5 =	sadd.s32 $0x800, s17;
	[sflag:s1] =	ssyncadd.s32 $0xFFFF8000  }
0x6d: {  	[tilespmem:s15], [sflag:$0x1] =	stream.indirect.gather [hbm4b:s4+s14], $0x40, s5, s14, $0xb8;
	[tilespmem:$0x16400] =	vst v63  }
0x6e: {  	s5 =	sadd.s32 $0x880, s17  }
0x6f: {  	[tilespmem:s16], [sflag:$0x1] =	stream.indirect.gather [hbm4b:s4+s14], $0x40, s5, s14, $0xb8;
	[tilespmem:$0x16400] =	vst v63  }
.Ltmp0:
0x70: {  	s5 =	sadd.s32 $0x900, s17;
	(pc) =	sbr.rel @p0 .LBB2_2-.Ltmp0, $4  }
0x71: {  	[tilespmem:s18], [sflag:$0x1] =	stream.indirect.gather [hbm4b:s4+s14], $0x40, s5, s14, $0xb8;
	[tilespmem:$0x16400] =	vst v63  }
0x72: {  	s5 =	sadd.s32 $0x980, s17  }
0x73: {  	[tilespmem:s20], [sflag:$0x1] =	stream.indirect.gather [hbm4b:s4+s14], $0x40, s5, s14, $0xb8;
	[tilespmem:$0x16400] =	vst v63  }
0x74: {  	s26 =	sadd.s32 $0x10000, s26;
	s29 =	sadd.s32 $0x2000, s29  }
0x75: {  	[hbm4b:s12+s3] =	stream.linear.scatter [tilespmem:s23], [sflag:$0x4], $0x8000, $0x38;
	[tilespmem:$0x16400] =	vst v63  }
0x76: {  	_ =	swait.ge [sflag:s21], $0x8000  }
0x77: {  	[sflag:s21] =	ssyncset.done $0x0  }
0x78: {  	[sflag:s21] =	ssyncadd.s32 $0xFFFF8000  }
0x79: {  	_ =	swait.ge [sflag:s24], $0x8000  }
0x7a: {  	[sflag:s24] =	ssyncset.done $0x0  }
0x7b: {  	s5 =	simm.s32 $0x6200;
	[sflag:s24] =	ssyncadd.s32 $0xFFFF8000  }
0x7c: {  	[tilespmem:s23], [sflag:$0x2] =	stream.indirect.gather [hbm4b:s4+s14], $0x40, s5, s14, $0xb8;
	[tilespmem:$0x16400] =	vst v63  }
0x7d: {  	s17 =	simm.s32 $0x6280  }
0x7e: {  	[tilespmem:s25], [sflag:$0x2] =	stream.indirect.gather [hbm4b:s4+s14], $0x40, s17, s14, $0xb8;
	[tilespmem:$0x16400] =	vst v63  }
0x7f: {  	s22 =	simm.s32 $0x6300  }
0x80: {  	[tilespmem:s28], [sflag:$0x2] =	stream.indirect.gather [hbm4b:s4+s14], $0x40, s22, s14, $0xb8;
	[tilespmem:$0x16400] =	vst v63  }
0x81: {  	s26 =	simm.s32 $0x6380  }
0x82: {  	[tilespmem:s30], [sflag:$0x2] =	stream.indirect.gather [hbm4b:s4+s14], $0x40, s26, s14, $0xb8;
	[tilespmem:$0x16400] =	vst v63  }
0x83: {  	_ = 	snop  }
0x84: {  	[hbm4b:s9+s3] =	stream.linear.scatter [tilespmem:s15], [sflag:$0x3], $0x8000, $0x38;
	[tilespmem:$0x16400] =	vst v63  }
0x85: {  	_ =	swait.ge [sflag:s31], $0x8000  }
0x86: {  	[sflag:s31] =	ssyncset.done $0x0  }
0x87: {  	[sflag:s31] =	ssyncadd.s32 $0xFFFF8000  }
0x88: {  	[hbm4b:s10+s3] =	stream.linear.scatter [tilespmem:s23], [sflag:$0x4], $0x8000, $0x38;
	[tilespmem:$0x16400] =	vst v63  }
0x89: {  	_ =	swait.ge [sflag:s1], $0x8000  }
0x8a: {  	[sflag:s1] =	ssyncset.done $0x0  }
0x8b: {  	[sflag:s1] =	ssyncadd.s32 $0xFFFF8000  }
0x8c: {  	_ =	swait.ge [sflag:s24], $0x8000  }
0x8d: {  	s19 =	sadd.s32 $0x1, s19;
	s29 =	rddreg [dreg:$0x4]  }
0x8e: {  	p0 =	sne.s32 s19, s29  }
.Ltmp1:
0x8f: {  	_ = 	snop;
	(pc) =	sbr.rel @p0 .LBB2_1-.Ltmp1, $3  }
0x90: {  	_ =	sdelay $0x1  }
0x91: {  	[sflag:s24] =	ssyncset.done $0x0  }
0x92: {  	[sflag:s24] =	ssyncadd.s32 $0xFFFF8000  }
0x93: {  	_ =	sfence.sel $0x180000  }
0x94: {  	[bflag:$0x0] =	sbarrier.arrive $0xFFFF  }
0x95: {  	_ =	strace $0x90000047  }
0x96: {  	s0 =	stileid.u32;
	[bflag:$0x2] =	sbarrier.arrive $0xFFFF  }
0x97: {  	p0 =	sne.s32 s0, $0x0;
	s0 =	rddreg [dreg:$0x2]  }
0x98: {  	s0 =	sadd.s32 @!p0 $0x100000, s0  }
0x99: {  	[sflag:s0] =	ssyncadd.tile.s32 @!p0 $0x1;
	_ =	shalt  }
.Lfunc_end2:
_tile_overlayer_lowered:
.L_overlay_start_2:
0x9a: {  	(tag) =	ssettag $0x2  }
0x9b: {  	s0 =	rddreg [dreg:$0x0];
	s2 =	stileid.u32  }
0x9c: {  	s1 =	rddreg [dreg:$0x1];
	p0 =	sne.s32 s2, $0x0  }
0x9d: {  	s3 =	rddreg [dreg:$0x2];
	[bflag:$0x3] =	sbarrier.arrive $0xFFFF;
	s2 =	simm.s32 @!p0 $0x1C05  }
0x9e: {  	[timem:s3], [sflag:s2] =	dma.local @!p0 [hbm:s0], s1  }
0x9f: {  	s0 =	simm.s32 @!p0 $0x5  }
0xa0: {  	_ =	swait.ge @!p0 [sflag:s0], s1  }
0xa1: {  	s1 =	ssub.s32 @!p0 $0x0, s1;
	[sflag:s0] =	ssyncset.done @!p0 $0x0  }
0xa2: {  	[sflag:s0] =	ssyncadd.s32 @!p0 s1  }
0xa3: {  	[bflag:$0x3] =	sbarrier.arrive $0xFFFF  }
0xa4: {  	_ =	shalt  }

// kernel: sparse-core-data-format-call.cloned.1.call-start
scs
called_computation_lowered:
.L_overlay_start_0:
0x0: {  	s2 =	sld [smem:$0x3FD9]  }
0x1: {  	s3 =	sld [smem:$0x3FFE];
	_ =	sdelay $0x1  }
0x2: {  	s1 =	srdreg.scid  }
0x3: {  	s0 =	sand.u32 $0x1, s1  }
0x4: {  	s18 =	sshll.u32 s0, $0xA;
	s2 =	sadd.s32 s3, s2  }
0x5: {  	s2 =	sadd.s32 s2, s18  }
0x6: {  	[smem:$0x3FC4] =	sst s2  }
0x7: {  	_ = 	snop  }
0x8: {  	s2 =	sld [smem:$0x3FD0];
	(tm) =	ssettm $0x1  }
0x9: {  	s19 =	sld [smem:$0x3FFB];
	_ =	sdelay $0x3  }
0xa: {  	_ =	strace s19  }
0xb: {  	s3 =	sld [smem:$0x3FFC];
	_ =	sdelay $0x3  }
0xc: {  	_ =	strace s3  }
0xd: {  	s3 =	sld [smem:$0x3FFD];
	_ =	sdelay $0x3  }
0xe: {  	_ =	strace s3  }
0xf: {  	_ =	strace $0x8FFFFFFF  }
0x10: {  	s20 =	sld [smem:$0x3FDB];
	_ =	sdelay $0x1  }
0x11: {  	s4 =	simm.s32 $_scs_section_size  }
0x12: {  	s5 =	simm.s32 $_size__tile_overlayer_lowered;
	s6 =	simm.s32 $_tile_overlayer_lowered  }
0x13: {  	s23 =	simm.s32 $0x1BFF;
	s22 =	sshll.u32 s6, $0x1;
	s3 =	sadd.s32 s4, s20  }
0x14: {  	s7 =	simm.s32 $0x0;
	s21 =	sshll.u32 s5, $0x1;
	s5 =	sadd.s32 s22, s3  }
0x15: {  	[timem:s7], [sflag:s23] =	dma.local [hbm:s5], s21  }
0x16: {  	_ =	swait.ge [sflag:s23], s21  }
0x17: {  	s4 =	ssub.s32 $0x0, s21;
	[sflag:s23] =	ssyncset.done $0x0  }
0x18: {  	[sflag:s23] =	ssyncadd.s32 s4;
	_ =	sdelay $0x1  }
0x19: {  	s24 =	simm.s32 $0x1B8B  }
0x1a: {  	_ =	swait.ge [sflag:s24], $0x1  }
0x1b: {  	[sflag:s24] =	ssyncset.done $0x0  }
0x1c: {  	s26 =	simm.s32 $0x1B8E;
	s25 =	sld [smem:$0x3FFE];
	[sflag:s24] =	ssyncadd.s32 $0xFFFFFFFF  }
0x1d: {  	s27 =	simm.s32 $execute0_lowered;
	[smem:$0x3FD2] =	sst s26  }
0x1e: {  	s5 =	sshll.u32 s27, $0x1;
	_ =	strace $0x80000049;
	[dreg:$0x1] =	wrdreg $0xFFFFFFFF  }
0x1f: {  	s28 =	simm.s32 $_size_execute0_lowered;
	s3 =	sadd.s32 s3, s5;
	[dreg:$0x0] =	wrdreg $0x0  }
0x20: {  	s5 =	sshll.u32 s28, $0x1;
	[dreg:$0x2] =	wrdreg s3  }
0x21: {  	[dreg:$0x3] =	wrdreg s5  }
0x22: {  	[dreg:$0x4] =	wrdreg $0xC0  }
0x23: {  	_ =	task [dreg:s7], $0x5FFFF  }
0x24: {  	[dreg:$0x1] =	wrdreg $0xFFFFFFFF  }
0x25: {  	[dreg:$0x0] =	wrdreg $0x60  }
0x26: {  	[dreg:$0x2] =	wrdreg s25  }
0x27: {  	[dreg:$0x3] =	wrdreg s2  }
0x28: {  	[dreg:$0x4] =	wrdreg $0x9  }
0x29: {  	_ =	task.clear_ibuf [dreg:s7], $0x5FFFF;
	_ =	strace $0x90000049  }
0x2a: {  	s29 =	simm.s32 $0x9;
	_ =	strace $0x8000004B  }
0x2b: {  	_ =	swait.ge [sflag:s29], $0x1  }
0x2c: {  	[sflag:s29] =	ssyncadd.s32 $0xFFFFFFFF  }
0x2d: {  	_ =	strace $0x9000004B  }
0x2e: {  	_ =	sfence  }
0x2f: {  	s30 =	sld [smem:$0x0];
	_ =	sdelay $0x2  }
0x30: {  	s31 =	sshll.u32 s1, $0xD;
	s1 =	sshrl.u32 s1, $0x2  }
0x31: {  	s3 =	sand.u32 $0x4000, s31;
	s1 =	sadd.s32 s1, s30  }
0x32: {  	s0 =	sor.u32 s3, s0;
	s1 =	sshll.u32 s1, $0x11  }
0x33: {  	s0 =	sor.u32 s1, s0  }
0x34: {  	s0 =	sadd.s32 $0x8F2B, s0  }
0x35: {  	[sflag:s0] =	ssyncadd.remote.s32 $0x1  }
0x36: {  	_ =	sfence.sel $0xFFFF  }
0x37: {  	[dreg:$0x0] =	wrdreg $0xFFFFFFFF;
	(pc) =	sbr.abs _section_cstart, $3  }
0x38: {  	[dreg:$0x1] =	wrdreg $0xFFFFFFFF  }
0x39: {  	_ =	task.clear_ibuf [dreg:s7], $0x2FFFF;
	_ =	strace $0x9FFFFFFF  }
0x3a: {  	(tm) =	ssettm $0x7FFFFFFF  }
0x3b: {  	_ =	shalt  }
tec
execute0_lowered:
.L_overlay_start_1:
0x0: {  	(tag) =	ssettag $0x1  }
0x1: {  	s0 =	srdreg.scid  }
0x2: {  	s1 =	sshll.u32 s0, $0x4  }
0x3: {  	s0 =	stileid.u32;
	s1 =	sand.u32 $0x10, s1  }
0x4: {  	s1 =	sor.u32 s0, s1  }
0x5: {  	s6 =	rddreg [dreg:$0x0];
	s4 =	simm.s32 $0x1;
	s2 =	sshll.u32 s1, $0x7  }
0x6: {  	s7 =	simm.s32 $0x2;
	s12 =	simm.s32 $0x0;
	s1 =	ssub.s32 $0x1000, s2  }
0x7: {  	s8 =	simm.s32 $0x8000;
	s13 =	simm.s32 $0x0;
	s3 =	sand.u32 $0xF80, s1  }
0x8: {  	s9 =	simm.s32 $0x0;
	s5 =	sshrl.u32 s1, $0xC;
	p0 =	sne.s32 s3, $0x0  }
.Ltmp0:
0x9: {  	s1 =	rddreg [dreg:$0x2];
	s4 =	simm.s32 @!p0 $0x0;
	(pc) =	sbr.rel .LBB1_1-.Ltmp0, $4  }
0xa: {  	s11 =	simm.s32 $0x0;
	s3 =	rddreg [dreg:$0x1];
	s5 =	sadd.s32 s4, s5  }
0xb: {  	_ =	strace $0x8000004A;
	s4 =	simm.s32 $0x1;
	s5 =	smul.u32 $0xC8, s5  }
0xc: {  	s6 =	sadd.s32 $0xE00, s6;
	s10 =	smov.u32 s2;
	[sflag:s4] =	ssyncpa.u1 $0x0  }
0xd: {  	p0 =	por $0x0, $0x0;
	[sflag:s7] =	ssyncpa.u1 $0x0;
	s7 =	sor.u32 $0x1, s5  }
.LBB1_4:
0xe: {  	s16 =	sshll.u32 s13, $0x3;
	s17 =	sand.u32 $0x78, s13  }
0xf: {  	s30 =	sand.u32 $0x7E00, s13;
	s12 =	sshll.u32 s12, $0xF;
	s16 =	sand.u32 $0xC00, s16  }
0x10: {  	[tilespmem:s15+$0x810 ss:$0x81] =	vst.msk $0xffff, v2;
	s31 =	sand.u32 $0x7, s13;
	s16 =	sor.u32 s17, s16;
	s17 =	sadd.s32 s3, s30  }
0x11: {  	[tilespmem:s15+$0x1020 ss:$0x81] =	vst.msk $0xffff, v0;
	s13 =	sshll.u32 s31, $0x12;
	s12 =	sadd.s32 s12, s17;
	s16 =	sshrl.u32 s16, $0x3  }
0x12: {  	[tilespmem:s15+$0x0 ss:$0x81] =	vst.msk $0xffff, v1;
	s13 =	sor.u32 $0x400, s13;
	s12 =	sadd.s32 s16, s12  }
0x13: {  	[hbm4b:s12+s13] =	stream.strided.scatter [tilespmem:s14], [sflag:$0x2], $0x2000, s8, s13, $0x20;
	[tilespmem:$0x8080] =	vst v63  }
.LBB1_5:
0x14: {  	s14 =	sadd.s32 $0x1, s9  }
0x15: {  	s12 =	sadd.s32 $0x1000, s10;
	s16 =	smov.u32 s10;
	p2 =	sgt.s32 s14, $0xC7  }
0x16: {  	s16 =	smov.u32 @p2 s12  }
0x17: {  	s14 =	simm.s32 @p2 $0x0;
	p2 =	sgt.s32 s16, $0xFFF  }
0x18: {  	s16 =	smov.u32 @p2 s2;
	p2 =	sne.s32 s11, s7  }
.Ltmp1:
0x19: {  	p1 =	slt.u32 s11, $0x2;
	(pc) =	sbr.rel @!p2 .LBB1_6-.Ltmp1, $4  }
0x1a: {  	s15 =	simm.s32 @!p1 $0x2  }
0x1b: {  	s13 =	smov.u32 s10;
	p0 =	por !p0, !p0;
	_ =	swait.ge @!p1 [sflag:s15], $0x2000  }
0x1c: {  	s12 =	smov.u32 s9;
	[sflag:s15] =	ssyncset.done @!p1 $0x0;
	s9 =	smov.u32 s14  }
0x1d: {  	s11 =	sadd.s32 $0x1, s11;
	[sflag:s15] =	ssyncadd.s32 @!p1 $0xFFFFE000;
	s10 =	smov.u32 s16  }
.LBB1_1:
0x1e: {  	p1 =	sge.u32 s11, s5  }
0x1f: {  	s14 =	sand.u32 @!p1 $0x1FFFFFF, s9  }
0x20: {  	s15 =	smulhi.u32 @!p1 $0x147AE15, s14;
	_ =	sdelay $0x1  }
0x21: {  	s15 =	smul.u32 @!p1 $0xC8, s15  }
0x22: {  	s16 =	sxor.u32 @!p1 $0xFFFFFFFF, s11;
	s17 =	smul.u32 @!p1 $0xC80, s10  }
0x23: {  	s31 =	sadd.s32 $0xFFFFFFFF, s11;
	s16 =	sshll.u32 @!p1 s16, $0xD;
	s14 =	ssub.s32 @!p1 s14, s15  }
0x24: {  	s15 =	sand.u32 @!p1 $0x2000, s16;
	s16 =	sadd.s32 @!p1 s6, s17;
	s14 =	sshll.u32 @!p1 s14, $0x4  }
0x25: {  	s17 =	simm.s32 @!p1 $0x6400;
	s14 =	sadd.s32 @!p1 s14, s16;
	s16 =	simm.s32 @!p1 $0x40  }
0x26: {  	[tilespmem:s15], [sflag:$0x1] =	stream.strided.gather @!p1 [hbm4b:s14+s16], $0x2000, s17, s16, $0x38;
	[tilespmem:$0x8080] =	vst v63  }
0x27: {  	p1 =	sge.u32 s31, s5  }
.Ltmp2:
0x28: {  	_ = 	snop;
	(pc) =	sbr.rel @p1 .LBB1_5-.Ltmp2, $1  }
0x29: {  	_ =	sdelay $0x3  }
0x2a: {  	s14 =	simm.s32 $0x1  }
0x2b: {  	_ =	swait.ge [sflag:s4], $0x2000;
	s14 =	simm.s32 @!p0 $0x0  }
0x2c: {  	[sflag:s4] =	ssyncset.done $0x0;
	s15 =	sshll.u32 s14, $0xD  }
0x2d: {  	[sflag:s4] =	ssyncadd.s32 $0xFFFFE000;
	s18 =	sor.u32 $0x20, s15  }
0x2e: {  	s14 =	smul.u32 $0x8100, s14;
	v3 =	vld [tilespmem:s18+$0x10]  }
0x2f: {  	s30 =	sand.u32 $0x1, s11;
	v2 =	vld [tilespmem:s18+$0xFFFFFFF0]  }
0x30: {  	s15 =	smul.u32 $0x8100, s30;
	s14 =	sshrl.u32 s14, $0x2;
	v0 =	vld [tilespmem:s18+$0x0]  }
0x31: {  	v1 =	vld [tilespmem:s18+$0xFFFFFFE0];
	s16 =	sor.u32 $0x4000, s14  }
0x32: {  	s31 =	sshrl.u32 s15, $0x2;
	s15 =	sadd.s32 $0x0, s16  }
0x33: {  	s17 =	simm.s32 $0x4;
	s18 =	sadd.s32 $0x40, s18;
	s14 =	sor.u32 $0x4000, s31;
	[tilespmem:s15+$0x1830 ss:$0x81] =	vst.msk $0xffff, v3  }
.LBB1_3:
0x34: {  	v3 =	vld [tilespmem:s18+$0x10];
	p1 =	sne.s32 s17, $0x1FC;
	[tilespmem:s15+$0x810 ss:$0x81] =	vst.msk $0xffff, v2;
	s19 =	smov.u32 s17;
	s17 =	sadd.s32 $0x4, s17  }
.Ltmp3:
0x35: {  	v2 =	vld [tilespmem:s18+$0xFFFFFFF0];
	[tilespmem:s15+$0x1020 ss:$0x81] =	vst.msk $0xffff, v0;
	(pc) =	sbr.rel @p1 .LBB1_3-.Ltmp3, $4  }
0x36: {  	v0 =	vld [tilespmem:s18+$0x0];
	[tilespmem:s15+$0x0 ss:$0x81] =	vst.msk $0xffff, v1  }
0x37: {  	s15 =	sshra.s32 s19, $0x2;
	v1 =	vld [tilespmem:s18+$0xFFFFFFE0]  }
0x38: {  	s15 =	sadd.s32 s15, s16  }
0x39: {  	s18 =	sadd.s32 $0x40, s18;
	[tilespmem:s15+$0x1830 ss:$0x81] =	vst.msk $0xffff, v3  }
.Ltmp4:
0x3a: {  	_ = 	snop;
	(pc) =	sbr.rel .LBB1_4-.Ltmp4, $1  }
0x3b: {  	_ =	sdelay $0x3  }
.LBB1_6:
0x3c: {  	_ =	sfence.sel $0x180000  }
0x3d: {  	s2 =	simm.s32 $0x1;
	[bflag:$0x0] =	sbarrier.arrive $0xFFFF  }
0x3e: {  	s31 =	simm.s32 $0x2;
	[sflag:s2] =	ssyncpa.u1 $0x1  }
0x3f: {  	[sflag:s31] =	ssyncpa.u1 $0x1  }
0x40: {  	p0 =	sne.s32 s0, $0x0;
	_ =	strace $0x9000004A  }
0x41: {  	s0 =	sadd.s32 @!p0 $0x100000, s1;
	[bflag:$0x2] =	sbarrier.arrive $0xFFFF  }
0x42: {  	[sflag:s0] =	ssyncadd.tile.s32 @!p0 $0x1;
	_ =	shalt  }
.Lfunc_end1:
_tile_overlayer_lowered:
.L_overlay_start_2:
0x43: {  	(tag) =	ssettag $0x2  }
0x44: {  	s0 =	rddreg [dreg:$0x0];
	s2 =	stileid.u32  }
0x45: {  	s1 =	rddreg [dreg:$0x1];
	p0 =	sne.s32 s2, $0x0  }
0x46: {  	s3 =	rddreg [dreg:$0x2];
	[bflag:$0x3] =	sbarrier.arrive $0xFFFF;
	s2 =	simm.s32 @!p0 $0x1C01  }
0x47: {  	[timem:s3], [sflag:s2] =	dma.local @!p0 [hbm:s0], s1  }
0x48: {  	s0 =	simm.s32 @!p0 $0x1  }
0x49: {  	_ =	swait.ge @!p0 [sflag:s0], s1  }
0x4a: {  	s1 =	ssub.s32 @!p0 $0x0, s1;
	[sflag:s0] =	ssyncset.done @!p0 $0x0  }
0x4b: {  	[sflag:s0] =	ssyncadd.s32 @!p0 s1  }
0x4c: {  	[bflag:$0x3] =	sbarrier.arrive $0xFFFF  }
0x4d: {  	_ =	shalt  }

</sc_bundles>
